<compile_context>
chip_gen: v7x
topology: tpu7x:2x2x1
jax: 0.10.2.dev20260603
libtpu: 0.0.44.dev20260713+nightly
codegen_flags: <defaults>
</compile_context>

<pallas_src>
import functools

import jax
import jax.numpy as jnp
from jax import lax
from jax.experimental import pallas as pl
from jax.experimental.pallas import tpu as pltpu
from jax.experimental.pallas import tpu_sc as plsc

N_NODES = 10000
N_EDGES = 320000
D_FEAT = 128

NC = 2
NS = 16
NW = NC * NS

N_ACC = N_NODES
CHUNK = 112
N_CHUNKS = 92
EDGES_PER_TILE = CHUNK * N_CHUNKS
E_PAD = EDGES_PER_TILE * NW
NBUF = 3

ROWS_A = 632
ROWS_B = N_ACC - 15 * ROWS_A
ROWS_B_OUT = ROWS_B


def _sc_partials(feat, src, dst):
    mesh = plsc.VectorSubcoreMesh(core_axis_name="c", subcore_axis_name="s")

    @functools.partial(
        pl.kernel,
        out_type=jax.ShapeDtypeStruct((NC, N_NODES, D_FEAT), jnp.float32),
        mesh=mesh,
        scratch_types=[
            pltpu.VMEM_SHARED((N_ACC, D_FEAT), jnp.float32),
            [pltpu.VMEM((CHUNK,), jnp.int32)] * NBUF,
            [pltpu.VMEM((CHUNK,), jnp.int32)] * NBUF,
            [pltpu.VMEM((CHUNK, D_FEAT), jnp.float32)] * NBUF,
            [pltpu.SemaphoreType.DMA] * (4 * NBUF),
        ],
    )
    def k(feat_hbm, src_hbm, dst_hbm, out_hbm,
          acc_sh, sidx, didx, rows, sems):
        c = lax.axis_index("c")
        s = lax.axis_index("s")
        wid = s * NC + c
        sem_g = sems[0:NBUF]
        sem_si = sems[NBUF:2 * NBUF]
        sem_di = sems[2 * NBUF:3 * NBUF]
        sem_sc = sems[3 * NBUF:4 * NBUF]
        ebase = wid * EDGES_PER_TILE
        row_base = s * ROWS_A

        def zbody(r, carry):
            for u in range(D_FEAT // 16):
                rows[0][r, pl.ds(u * 16, 16)] = jnp.zeros((16,), jnp.float32)
            return carry

        lax.fori_loop(0, CHUNK, zbody, 0)

        @pl.when(s < NS - 1)
        def _():
            for j in range(ROWS_A // CHUNK):
                pltpu.sync_copy(rows[0],
                                acc_sh.at[pl.ds(row_base + j * CHUNK, CHUNK)])
            rem = ROWS_A % CHUNK
            pltpu.sync_copy(
                rows[0].at[pl.ds(0, rem)],
                acc_sh.at[pl.ds(row_base + (ROWS_A // CHUNK) * CHUNK, rem)])

        @pl.when(s == NS - 1)
        def _():
            for j in range(ROWS_B // CHUNK):
                pltpu.sync_copy(rows[0],
                                acc_sh.at[pl.ds(row_base + j * CHUNK, CHUNK)])
            rem = ROWS_B % CHUNK
            pltpu.sync_copy(
                rows[0].at[pl.ds(0, rem)],
                acc_sh.at[pl.ds(row_base + (ROWS_B // CHUNK) * CHUNK, rem)])

        plsc.subcore_barrier()

        def fire_sidx(i, b):
            pltpu.async_copy(src_hbm.at[pl.ds(ebase + i * CHUNK, CHUNK)],
                             sidx[b], sem_si[b])

        def fire_didx(i, b):
            pltpu.async_copy(dst_hbm.at[pl.ds(ebase + i * CHUNK, CHUNK)],
                             didx[b], sem_di[b])

        def wait_sidx(b):
            pltpu.make_async_copy(src_hbm.at[pl.ds(0, CHUNK)],
                                  sidx[b], sem_si[b]).wait()

        def wait_didx(b):
            pltpu.make_async_copy(dst_hbm.at[pl.ds(0, CHUNK)],
                                  didx[b], sem_di[b]).wait()

        def fire_gather(b):
            pltpu.async_copy(feat_hbm.at[sidx[b]], rows[b], sem_g[b])

        def wait_gather(b):
            pltpu.make_async_copy(feat_hbm.at[sidx[b]],
                                  rows[b], sem_g[b]).wait()

        def fire_scatter(b):
            pltpu.async_copy(rows[b], acc_sh.at[didx[b]], sem_sc[b],
                             add=True)

        def wait_scatter(b):
            pltpu.make_async_copy(rows[b], acc_sh.at[didx[b]],
                                  sem_sc[b]).wait()

        def step(j, b, drain, prefetch, consume):
            b2 = (b + 2) % NBUF
            if drain:
                wait_scatter(b2)
            if prefetch:
                fire_sidx(j + 2, b2)
                fire_didx(j + 2, b2)
            if consume:
                wait_gather(b)
                wait_didx(b)
                fire_scatter(b)
            if prefetch:
                wait_sidx(b2)
                fire_gather(b2)

        for b in range(2):
            fire_sidx(b, b)
            fire_didx(b, b)
        for b in range(2):
            wait_sidx(b)
            fire_gather(b)

        step(0, 0, False, True, True)
        step(1, 1, True, True, True)
        step(2, 2, True, True, True)

        def body(g, carry):
            for u in range(NBUF):
                step(3 + g * NBUF + u, u, True, True, True)
            return carry

        lax.fori_loop(0, (N_CHUNKS - 2 - 3) // NBUF, body, 0)
        step(N_CHUNKS - 2, (N_CHUNKS - 2) % NBUF, True, False, True)
        step(N_CHUNKS - 1, (N_CHUNKS - 1) % NBUF, True, False, True)
        wait_scatter((N_CHUNKS - 1) % NBUF)

        plsc.subcore_barrier()

        @pl.when(s < NS - 1)
        def _():
            pltpu.sync_copy(acc_sh.at[pl.ds(row_base, ROWS_A)],
                            out_hbm.at[c, pl.ds(row_base, ROWS_A)])

        @pl.when(s == NS - 1)
        def _():
            pltpu.sync_copy(acc_sh.at[pl.ds(row_base, ROWS_B_OUT)],
                            out_hbm.at[c, pl.ds(row_base, ROWS_B_OUT)])

    return k(feat, src, dst)


def _combine(feat, partials):
    rows = 1000
    grid = N_NODES // rows

    def body(f_ref, a_ref, b_ref, o_ref):
        o_ref[...] = f_ref[...] + a_ref[0] + b_ref[0]

    return pl.pallas_call(
        body,
        grid=(grid,),
        in_specs=[
            pl.BlockSpec((rows, D_FEAT), lambda i: (i, 0)),
            pl.BlockSpec((1, rows, D_FEAT), lambda i: (0, i, 0)),
            pl.BlockSpec((1, rows, D_FEAT), lambda i: (1, i, 0)),
        ],
        out_specs=pl.BlockSpec((rows, D_FEAT), lambda i: (i, 0)),
        out_shape=jax.ShapeDtypeStruct((N_NODES, D_FEAT), jnp.float32),
    )(feat, partials, partials)


@jax.jit
def kernel(feat, edge_index):
    src = edge_index[0].astype(jnp.int32)
    dst = edge_index[1].astype(jnp.int32)
    n_pad = E_PAD - N_EDGES
    feat_z = jnp.concatenate([feat, jnp.zeros((8, D_FEAT), jnp.float32)])
    src = jnp.concatenate([src, jnp.full((n_pad,), N_NODES, jnp.int32)])
    dst = jnp.concatenate(
        [dst, (jnp.arange(n_pad, dtype=jnp.int32) * 13) % N_NODES])
    partials = _sc_partials(feat_z, src, dst)
    return _combine(feat, partials)

# --- scband reference (transcript-rebuilt; emitter-appended) ---
"""Pipeline reference for scband-ginconv-31121333027433 (READ-ONLY COPY).

The authoritative reference and input builder live on the scoring server;
editing this copy changes nothing except your own understanding.
"""

import jax, jax.numpy as jnp
import numpy as np

N_NODES = 10000
N_EDGES = 320000
D_FEAT = 128
EPS = 0.0  # init_eps=0, learn_eps=False (buffer, not trained)


def setup_inputs(seed: int = 0) -> dict:
    key = jax.random.key(seed)
    k1, k2 = jax.random.split(key)
    feat = jax.random.normal(k1, (N_NODES, D_FEAT), dtype=jnp.float32)
    edge_index = jax.random.randint(k2, (2, N_EDGES), 0, N_NODES, dtype=jnp.int32).astype(jnp.int64)
    return {"feat": feat, "edge_index": edge_index}


def reference(feat, edge_index):
    # GINConv with sum aggregator, apply_func=None, activation=None:
    #   feat_dst = gspmm_sum(graph, feat)  -> scatter-add of source features onto dst nodes
    #   rst = (1 + eps) * feat + feat_dst
    src = edge_index[0]
    dst = edge_index[1]
    msgs = jnp.take(feat, src, axis=0)                      # gather  [E, D]
    agg = jax.ops.segment_sum(msgs, dst, num_segments=N_NODES)  # scatter-add [N, D]
    rst = (1.0 + EPS) * feat + agg
    return rst

if __name__ == "__main__":
    import jax
    _d = setup_inputs()
    print(jax.jit(kernel)(*tuple(_d.values())))

</pallas_src>

<mosaic_0001>
#map = affine_map<(d0, d1) -> (0, 0)>
#map1 = affine_map<(d0, d1) -> (0)>
#map2 = affine_map<(d0, d1) -> (0, 0, 0)>
module attributes {stable_mosaic.version = 14 : i64} {
  func.func @k(%arg0: i32, %arg1: i32, %arg2: memref<10008x128xf32, #tpu.memory_space<hbm>>, %arg3: memref<329728xi32, #tpu.memory_space<hbm>>, %arg4: memref<329728xi32, #tpu.memory_space<hbm>>, %arg5: memref<2x10000x128xf32, #tpu.memory_space<hbm>>, %arg6: memref<10000x128xf32, #tpu.memory_space<vmem_shared>>, %arg7: memref<112xi32, #tpu.memory_space<vmem>>, %arg8: memref<112xi32, #tpu.memory_space<vmem>>, %arg9: memref<112xi32, #tpu.memory_space<vmem>>, %arg10: memref<112xi32, #tpu.memory_space<vmem>>, %arg11: memref<112xi32, #tpu.memory_space<vmem>>, %arg12: memref<112xi32, #tpu.memory_space<vmem>>, %arg13: memref<112x128xf32, #tpu.memory_space<vmem>>, %arg14: memref<112x128xf32, #tpu.memory_space<vmem>>, %arg15: memref<112x128xf32, #tpu.memory_space<vmem>>, %arg16: memref<!tpu.dma_semaphore, #tpu.memory_space<semaphore_mem>>, %arg17: memref<!tpu.dma_semaphore, #tpu.memory_space<semaphore_mem>>, %arg18: memref<!tpu.dma_semaphore, #tpu.memory_space<semaphore_mem>>, %arg19: memref<!tpu.dma_semaphore, #tpu.memory_space<semaphore_mem>>, %arg20: memref<!tpu.dma_semaphore, #tpu.memory_space<semaphore_mem>>, %arg21: memref<!tpu.dma_semaphore, #tpu.memory_space<semaphore_mem>>, %arg22: memref<!tpu.dma_semaphore, #tpu.memory_space<semaphore_mem>>, %arg23: memref<!tpu.dma_semaphore, #tpu.memory_space<semaphore_mem>>, %arg24: memref<!tpu.dma_semaphore, #tpu.memory_space<semaphore_mem>>, %arg25: memref<!tpu.dma_semaphore, #tpu.memory_space<semaphore_mem>>, %arg26: memref<!tpu.dma_semaphore, #tpu.memory_space<semaphore_mem>>, %arg27: memref<!tpu.dma_semaphore, #tpu.memory_space<semaphore_mem>>) attributes {dimension_semantics = [#tpu.dimension_semantics<core_parallel>, #tpu.dimension_semantics<subcore_parallel>], iteration_bounds = array<i64: 2, 16>, scalar_prefetch = 0 : i64, scratch_operands = 22 : i64, tpu.core_type = #tpu.core_type<sc_vector_subcore>, window_params = [{transform_indices = #map}, {transform_indices = #map1}, {transform_indices = #map1}, {transform_indices = #map2}]} {
    %mul3A = arith.constant 2 : i32
    %mul3A_0 = arith.muli %arg1, %mul3A : i32
    %add3A = arith.addi %mul3A_0, %arg0 : i32
    %mul3A_1 = arith.constant 10304 : i32
    %mul3A_2 = arith.muli %add3A, %mul3A_1 : i32
    %mul3A_3 = arith.constant 632 : i32
    %mul3A_4 = arith.muli %arg1, %mul3A_3 : i32
    %scan3A = arith.constant 0 : i32
    %scan3A_5 = arith.constant 0 : i32
    %scan3A_6 = arith.constant 112 : i32
    %scan3A_7 = arith.addi %scan3A_5, %scan3A_6 : i32
    %scan3A_8 = arith.constant 1 : i32
    scf.for %scan3A_171 = %scan3A_5 to %scan3A_7 step %scan3A_8  : i32 {
      %broadcast_in_dim3A = arith.constant 0.000000e+00 : f32
      %broadcast_in_dim3A_172 = vector.broadcast %broadcast_in_dim3A : f32 to vector<16xf32>
      %swap3A = arith.index_cast %scan3A_171 : i32 to index
      %swap3A_173 = arith.constant 0 : index
      %swap3A_174 = tpu.vector_load %arg13[%swap3A, %swap3A_173] {strides = array<i32>} : memref<112x128xf32, #tpu.memory_space<vmem>>, vector<1x16xf32>,
      %swap3A_175 = vector.shape_cast %swap3A_174 : vector<1x16xf32> to vector<16xf32>
      %swap3A_176 = vector.shape_cast %broadcast_in_dim3A_172 : vector<16xf32> to vector<1x16xf32>
      tpu.vector_store %arg13[%swap3A, %swap3A_173], %swap3A_176 {strides = array<i32>} : memref<112x128xf32, #tpu.memory_space<vmem>>, vector<1x16xf32>,
      %broadcast_in_dim3A_177 = arith.constant 0.000000e+00 : f32
      %broadcast_in_dim3A_178 = vector.broadcast %broadcast_in_dim3A_177 : f32 to vector<16xf32>
      %swap3A_179 = arith.index_cast %scan3A_171 : i32 to index
      %swap3A_180 = arith.constant 16 : index
      %swap3A_181 = tpu.vector_load %arg13[%swap3A_179, %swap3A_180] {strides = array<i32>} : memref<112x128xf32, #tpu.memory_space<vmem>>, vector<1x16xf32>,
      %swap3A_182 = vector.shape_cast %swap3A_181 : vector<1x16xf32> to vector<16xf32>
      %swap3A_183 = vector.shape_cast %broadcast_in_dim3A_178 : vector<16xf32> to vector<1x16xf32>
      tpu.vector_store %arg13[%swap3A_179, %swap3A_180], %swap3A_183 {strides = array<i32>} : memref<112x128xf32, #tpu.memory_space<vmem>>, vector<1x16xf32>,
      %broadcast_in_dim3A_184 = arith.constant 0.000000e+00 : f32
      %broadcast_in_dim3A_185 = vector.broadcast %broadcast_in_dim3A_184 : f32 to vector<16xf32>
      %swap3A_186 = arith.index_cast %scan3A_171 : i32 to index
      %swap3A_187 = arith.constant 32 : index
      %swap3A_188 = tpu.vector_load %arg13[%swap3A_186, %swap3A_187] {strides = array<i32>} : memref<112x128xf32, #tpu.memory_space<vmem>>, vector<1x16xf32>,
      %swap3A_189 = vector.shape_cast %swap3A_188 : vector<1x16xf32> to vector<16xf32>
      %swap3A_190 = vector.shape_cast %broadcast_in_dim3A_185 : vector<16xf32> to vector<1x16xf32>
      tpu.vector_store %arg13[%swap3A_186, %swap3A_187], %swap3A_190 {strides = array<i32>} : memref<112x128xf32, #tpu.memory_space<vmem>>, vector<1x16xf32>,
      %broadcast_in_dim3A_191 = arith.constant 0.000000e+00 : f32
      %broadcast_in_dim3A_192 = vector.broadcast %broadcast_in_dim3A_191 : f32 to vector<16xf32>
      %swap3A_193 = arith.index_cast %scan3A_171 : i32 to index
      %swap3A_194 = arith.constant 48 : index
      %swap3A_195 = tpu.vector_load %arg13[%swap3A_193, %swap3A_194] {strides = array<i32>} : memref<112x128xf32, #tpu.memory_space<vmem>>, vector<1x16xf32>,
      %swap3A_196 = vector.shape_cast %swap3A_195 : vector<1x16xf32> to vector<16xf32>
      %swap3A_197 = vector.shape_cast %broadcast_in_dim3A_192 : vector<16xf32> to vector<1x16xf32>
      tpu.vector_store %arg13[%swap3A_193, %swap3A_194], %swap3A_197 {strides = array<i32>} : memref<112x128xf32, #tpu.memory_space<vmem>>, vector<1x16xf32>,
      %broadcast_in_dim3A_198 = arith.constant 0.000000e+00 : f32
      %broadcast_in_dim3A_199 = vector.broadcast %broadcast_in_dim3A_198 : f32 to vector<16xf32>
      %swap3A_200 = arith.index_cast %scan3A_171 : i32 to index
      %swap3A_201 = arith.constant 64 : index
      %swap3A_202 = tpu.vector_load %arg13[%swap3A_200, %swap3A_201] {strides = array<i32>} : memref<112x128xf32, #tpu.memory_space<vmem>>, vector<1x16xf32>,
      %swap3A_203 = vector.shape_cast %swap3A_202 : vector<1x16xf32> to vector<16xf32>
      %swap3A_204 = vector.shape_cast %broadcast_in_dim3A_199 : vector<16xf32> to vector<1x16xf32>
      tpu.vector_store %arg13[%swap3A_200, %swap3A_201], %swap3A_204 {strides = array<i32>} : memref<112x128xf32, #tpu.memory_space<vmem>>, vector<1x16xf32>,
      %broadcast_in_dim3A_205 = arith.constant 0.000000e+00 : f32
      %broadcast_in_dim3A_206 = vector.broadcast %broadcast_in_dim3A_205 : f32 to vector<16xf32>
      %swap3A_207 = arith.index_cast %scan3A_171 : i32 to index
      %swap3A_208 = arith.constant 80 : index
      %swap3A_209 = tpu.vector_load %arg13[%swap3A_207, %swap3A_208] {strides = array<i32>} : memref<112x128xf32, #tpu.memory_space<vmem>>, vector<1x16xf32>,
      %swap3A_210 = vector.shape_cast %swap3A_209 : vector<1x16xf32> to vector<16xf32>
      %swap3A_211 = vector.shape_cast %broadcast_in_dim3A_206 : vector<16xf32> to vector<1x16xf32>
      tpu.vector_store %arg13[%swap3A_207, %swap3A_208], %swap3A_211 {strides = array<i32>} : memref<112x128xf32, #tpu.memory_space<vmem>>, vector<1x16xf32>,
      %broadcast_in_dim3A_212 = arith.constant 0.000000e+00 : f32
      %broadcast_in_dim3A_213 = vector.broadcast %broadcast_in_dim3A_212 : f32 to vector<16xf32>
      %swap3A_214 = arith.index_cast %scan3A_171 : i32 to index
      %swap3A_215 = arith.constant 96 : index
      %swap3A_216 = tpu.vector_load %arg13[%swap3A_214, %swap3A_215] {strides = array<i32>} : memref<112x128xf32, #tpu.memory_space<vmem>>, vector<1x16xf32>,
      %swap3A_217 = vector.shape_cast %swap3A_216 : vector<1x16xf32> to vector<16xf32>
      %swap3A_218 = vector.shape_cast %broadcast_in_dim3A_213 : vector<16xf32> to vector<1x16xf32>
      tpu.vector_store %arg13[%swap3A_214, %swap3A_215], %swap3A_218 {strides = array<i32>} : memref<112x128xf32, #tpu.memory_space<vmem>>, vector<1x16xf32>,
      %broadcast_in_dim3A_219 = arith.constant 0.000000e+00 : f32
      %broadcast_in_dim3A_220 = vector.broadcast %broadcast_in_dim3A_219 : f32 to vector<16xf32>
      %swap3A_221 = arith.index_cast %scan3A_171 : i32 to index
      %swap3A_222 = arith.constant 112 : index
      %swap3A_223 = tpu.vector_load %arg13[%swap3A_221, %swap3A_222] {strides = array<i32>} : memref<112x128xf32, #tpu.memory_space<vmem>>, vector<1x16xf32>,
      %swap3A_224 = vector.shape_cast %swap3A_223 : vector<1x16xf32> to vector<16xf32>
      %swap3A_225 = vector.shape_cast %broadcast_in_dim3A_220 : vector<16xf32> to vector<1x16xf32>
      tpu.vector_store %arg13[%swap3A_221, %swap3A_222], %swap3A_225 {strides = array<i32>} : memref<112x128xf32, #tpu.memory_space<vmem>>, vector<1x16xf32>,
    }
    %scan3A_9 = arith.constant 112 : i32
    %lt3A = arith.constant 15 : i32
    %lt3A_10 = arith.cmpi slt, %arg1, %lt3A : i32
    %convert_element_type3A = arith.extui %lt3A_10 : i1 to i32
    %cond3A = arith.constant 0 : i32
    %cond3A_11 = arith.cmpi ne, %convert_element_type3A, %cond3A : i32
    scf.if %cond3A_11 {
      %add3A_171 = arith.constant 0 : i32
      %add3A_172 = arith.addi %mul3A_4, %add3A_171 : i32
      "tpu.region"() ({
        %run_scoped3A = tpu.sem_alloc : memref<!tpu.dma_semaphore, #tpu.memory_space<semaphore_mem>>
        %dma_start3A_183 = arith.constant 0 : i32
        %dma_start3A_184 = tpu.memref_slice %arg6[%add3A_172, %dma_start3A_183] : memref<10000x128xf32, #tpu.memory_space<vmem_shared>> -> memref<112x128xf32, #tpu.memory_space<vmem_shared>>
        %dma_start3A_185 = arith.constant 0 : i32
        %dma_start3A_186 = tpu.memref_slice %arg6[%add3A_172, %dma_start3A_185] : memref<10000x128xf32, #tpu.memory_space<vmem_shared>> -> memref<112x128xf32, #tpu.memory_space<vmem_shared>>
        tpu.enqueue_dma source(%arg13 : memref<112x128xf32, #tpu.memory_space<vmem>>) target(%dma_start3A_186 : memref<112x128xf32, #tpu.memory_space<vmem_shared>>) target_semaphore(%run_scoped3A : memref<!tpu.dma_semaphore, #tpu.memory_space<semaphore_mem>>)
        %dma_wait3A_187 = arith.constant 0 : i32
        %dma_wait3A_188 = tpu.memref_slice %arg6[%add3A_172, %dma_wait3A_187] : memref<10000x128xf32, #tpu.memory_space<vmem_shared>> -> memref<112x128xf32, #tpu.memory_space<vmem_shared>>
        %dma_wait3A_189 = arith.constant 0 : i32
        %dma_wait3A_190 = tpu.memref_slice %arg6[%add3A_172, %dma_wait3A_189] : memref<10000x128xf32, #tpu.memory_space<vmem_shared>> -> memref<112x128xf32, #tpu.memory_space<vmem_shared>>
        tpu.wait_dma2 semaphore(%run_scoped3A : memref<!tpu.dma_semaphore, #tpu.memory_space<semaphore_mem>>) src(%arg13 : memref<112x128xf32, #tpu.memory_space<vmem>>) dst(%dma_wait3A_190 : memref<112x128xf32, #tpu.memory_space<vmem_shared>>)
        tpu.yield
      }) : () -> ()
      %add3A_173 = arith.constant 112 : i32
      %add3A_174 = arith.addi %mul3A_4, %add3A_173 : i32
      "tpu.region"() ({
        %run_scoped3A = tpu.sem_alloc : memref<!tpu.dma_semaphore, #tpu.memory_space<semaphore_mem>>
        %dma_start3A_183 = arith.constant 0 : i32
        %dma_start3A_184 = tpu.memref_slice %arg6[%add3A_174, %dma_start3A_183] : memref<10000x128xf32, #tpu.memory_space<vmem_shared>> -> memref<112x128xf32, #tpu.memory_space<vmem_shared>>
        %dma_start3A_185 = arith.constant 0 : i32
        %dma_start3A_186 = tpu.memref_slice %arg6[%add3A_174, %dma_start3A_185] : memref<10000x128xf32, #tpu.memory_space<vmem_shared>> -> memref<112x128xf32, #tpu.memory_space<vmem_shared>>
        tpu.enqueue_dma source(%arg13 : memref<112x128xf32, #tpu.memory_space<vmem>>) target(%dma_start3A_186 : memref<112x128xf32, #tpu.memory_space<vmem_shared>>) target_semaphore(%run_scoped3A : memref<!tpu.dma_semaphore, #tpu.memory_space<semaphore_mem>>)
        %dma_wait3A_187 = arith.constant 0 : i32
        %dma_wait3A_188 = tpu.memref_slice %arg6[%add3A_174, %dma_wait3A_187] : memref<10000x128xf32, #tpu.memory_space<vmem_shared>> -> memref<112x128xf32, #tpu.memory_space<vmem_shared>>
        %dma_wait3A_189 = arith.constant 0 : i32
        %dma_wait3A_190 = tpu.memref_slice %arg6[%add3A_174, %dma_wait3A_189] : memref<10000x128xf32, #tpu.memory_space<vmem_shared>> -> memref<112x128xf32, #tpu.memory_space<vmem_shared>>
        tpu.wait_dma2 semaphore(%run_scoped3A : memref<!tpu.dma_semaphore, #tpu.memory_space<semaphore_mem>>) src(%arg13 : memref<112x128xf32, #tpu.memory_space<vmem>>) dst(%dma_wait3A_190 : memref<112x128xf32, #tpu.memory_space<vmem_shared>>)
        tpu.yield
      }) : () -> ()
      %add3A_175 = arith.constant 224 : i32
      %add3A_176 = arith.addi %mul3A_4, %add3A_175 : i32
      "tpu.region"() ({
        %run_scoped3A = tpu.sem_alloc : memref<!tpu.dma_semaphore, #tpu.memory_space<semaphore_mem>>
        %dma_start3A_183 = arith.constant 0 : i32
        %dma_start3A_184 = tpu.memref_slice %arg6[%add3A_176, %dma_start3A_183] : memref<10000x128xf32, #tpu.memory_space<vmem_shared>> -> memref<112x128xf32, #tpu.memory_space<vmem_shared>>
        %dma_start3A_185 = arith.constant 0 : i32
        %dma_start3A_186 = tpu.memref_slice %arg6[%add3A_176, %dma_start3A_185] : memref<10000x128xf32, #tpu.memory_space<vmem_shared>> -> memref<112x128xf32, #tpu.memory_space<vmem_shared>>
        tpu.enqueue_dma source(%arg13 : memref<112x128xf32, #tpu.memory_space<vmem>>) target(%dma_start3A_186 : memref<112x128xf32, #tpu.memory_space<vmem_shared>>) target_semaphore(%run_scoped3A : memref<!tpu.dma_semaphore, #tpu.memory_space<semaphore_mem>>)
        %dma_wait3A_187 = arith.constant 0 : i32
        %dma_wait3A_188 = tpu.memref_slice %arg6[%add3A_176, %dma_wait3A_187] : memref<10000x128xf32, #tpu.memory_space<vmem_shared>> -> memref<112x128xf32, #tpu.memory_space<vmem_shared>>
        %dma_wait3A_189 = arith.constant 0 : i32
        %dma_wait3A_190 = tpu.memref_slice %arg6[%add3A_176, %dma_wait3A_189] : memref<10000x128xf32, #tpu.memory_space<vmem_shared>> -> memref<112x128xf32, #tpu.memory_space<vmem_shared>>
        tpu.wait_dma2 semaphore(%run_scoped3A : memref<!tpu.dma_semaphore, #tpu.memory_space<semaphore_mem>>) src(%arg13 : memref<112x128xf32, #tpu.memory_space<vmem>>) dst(%dma_wait3A_190 : memref<112x128xf32, #tpu.memory_space<vmem_shared>>)
        tpu.yield
      }) : () -> ()
      %add3A_177 = arith.constant 336 : i32
      %add3A_178 = arith.addi %mul3A_4, %add3A_177 : i32
      "tpu.region"() ({
        %run_scoped3A = tpu.sem_alloc : memref<!tpu.dma_semaphore, #tpu.memory_space<semaphore_mem>>
        %dma_start3A_183 = arith.constant 0 : i32
        %dma_start3A_184 = tpu.memref_slice %arg6[%add3A_178, %dma_start3A_183] : memref<10000x128xf32, #tpu.memory_space<vmem_shared>> -> memref<112x128xf32, #tpu.memory_space<vmem_shared>>
        %dma_start3A_185 = arith.constant 0 : i32
        %dma_start3A_186 = tpu.memref_slice %arg6[%add3A_178, %dma_start3A_185] : memref<10000x128xf32, #tpu.memory_space<vmem_shared>> -> memref<112x128xf32, #tpu.memory_space<vmem_shared>>
        tpu.enqueue_dma source(%arg13 : memref<112x128xf32, #tpu.memory_space<vmem>>) target(%dma_start3A_186 : memref<112x128xf32, #tpu.memory_space<vmem_shared>>) target_semaphore(%run_scoped3A : memref<!tpu.dma_semaphore, #tpu.memory_space<semaphore_mem>>)
        %dma_wait3A_187 = arith.constant 0 : i32
        %dma_wait3A_188 = tpu.memref_slice %arg6[%add3A_178, %dma_wait3A_187] : memref<10000x128xf32, #tpu.memory_space<vmem_shared>> -> memref<112x128xf32, #tpu.memory_space<vmem_shared>>
        %dma_wait3A_189 = arith.constant 0 : i32
        %dma_wait3A_190 = tpu.memref_slice %arg6[%add3A_178, %dma_wait3A_189] : memref<10000x128xf32, #tpu.memory_space<vmem_shared>> -> memref<112x128xf32, #tpu.memory_space<vmem_shared>>
        tpu.wait_dma2 semaphore(%run_scoped3A : memref<!tpu.dma_semaphore, #tpu.memory_space<semaphore_mem>>) src(%arg13 : memref<112x128xf32, #tpu.memory_space<vmem>>) dst(%dma_wait3A_190 : memref<112x128xf32, #tpu.memory_space<vmem_shared>>)
        tpu.yield
      }) : () -> ()
      %add3A_179 = arith.constant 448 : i32
      %add3A_180 = arith.addi %mul3A_4, %add3A_179 : i32
      "tpu.region"() ({
        %run_scoped3A = tpu.sem_alloc : memref<!tpu.dma_semaphore, #tpu.memory_space<semaphore_mem>>
        %dma_start3A_183 = arith.constant 0 : i32
        %dma_start3A_184 = tpu.memref_slice %arg6[%add3A_180, %dma_start3A_183] : memref<10000x128xf32, #tpu.memory_space<vmem_shared>> -> memref<112x128xf32, #tpu.memory_space<vmem_shared>>
        %dma_start3A_185 = arith.constant 0 : i32
        %dma_start3A_186 = tpu.memref_slice %arg6[%add3A_180, %dma_start3A_185] : memref<10000x128xf32, #tpu.memory_space<vmem_shared>> -> memref<112x128xf32, #tpu.memory_space<vmem_shared>>
        tpu.enqueue_dma source(%arg13 : memref<112x128xf32, #tpu.memory_space<vmem>>) target(%dma_start3A_186 : memref<112x128xf32, #tpu.memory_space<vmem_shared>>) target_semaphore(%run_scoped3A : memref<!tpu.dma_semaphore, #tpu.memory_space<semaphore_mem>>)
        %dma_wait3A_187 = arith.constant 0 : i32
        %dma_wait3A_188 = tpu.memref_slice %arg6[%add3A_180, %dma_wait3A_187] : memref<10000x128xf32, #tpu.memory_space<vmem_shared>> -> memref<112x128xf32, #tpu.memory_space<vmem_shared>>
        %dma_wait3A_189 = arith.constant 0 : i32
        %dma_wait3A_190 = tpu.memref_slice %arg6[%add3A_180, %dma_wait3A_189] : memref<10000x128xf32, #tpu.memory_space<vmem_shared>> -> memref<112x128xf32, #tpu.memory_space<vmem_shared>>
        tpu.wait_dma2 semaphore(%run_scoped3A : memref<!tpu.dma_semaphore, #tpu.memory_space<semaphore_mem>>) src(%arg13 : memref<112x128xf32, #tpu.memory_space<vmem>>) dst(%dma_wait3A_190 : memref<112x128xf32, #tpu.memory_space<vmem_shared>>)
        tpu.yield
      }) : () -> ()
      %add3A_181 = arith.constant 560 : i32
      %add3A_182 = arith.addi %mul3A_4, %add3A_181 : i32
      "tpu.region"() ({
        %run_scoped3A = tpu.sem_alloc : memref<!tpu.dma_semaphore, #tpu.memory_space<semaphore_mem>>
        %dma_start3A_183 = arith.constant 0 : i32
        %dma_start3A_184 = arith.constant 0 : i32
        %dma_start3A_185 = tpu.memref_slice %arg13[%dma_start3A_183, %dma_start3A_184] : memref<112x128xf32, #tpu.memory_space<vmem>> -> memref<72x128xf32, #tpu.memory_space<vmem>>
        %dma_start3A_186 = arith.constant 0 : i32
        %dma_start3A_187 = tpu.memref_slice %arg6[%add3A_182, %dma_start3A_186] : memref<10000x128xf32, #tpu.memory_space<vmem_shared>> -> memref<72x128xf32, #tpu.memory_space<vmem_shared>>
        %dma_start3A_188 = arith.constant 0 : i32
        %dma_start3A_189 = tpu.memref_slice %arg6[%add3A_182, %dma_start3A_188] : memref<10000x128xf32, #tpu.memory_space<vmem_shared>> -> memref<72x128xf32, #tpu.memory_space<vmem_shared>>
        %dma_start3A_190 = arith.constant 0 : i32
        %dma_start3A_191 = arith.constant 0 : i32
        %dma_start3A_192 = tpu.memref_slice %arg13[%dma_start3A_190, %dma_start3A_191] : memref<112x128xf32, #tpu.memory_space<vmem>> -> memref<72x128xf32, #tpu.memory_space<vmem>>
        tpu.enqueue_dma source(%dma_start3A_192 : memref<72x128xf32, #tpu.memory_space<vmem>>) target(%dma_start3A_189 : memref<72x128xf32, #tpu.memory_space<vmem_shared>>) target_semaphore(%run_scoped3A : memref<!tpu.dma_semaphore, #tpu.memory_space<semaphore_mem>>)
        %dma_wait3A_193 = arith.constant 0 : i32
        %dma_wait3A_194 = arith.constant 0 : i32
        %dma_wait3A_195 = tpu.memref_slice %arg13[%dma_wait3A_193, %dma_wait3A_194] : memref<112x128xf32, #tpu.memory_space<vmem>> -> memref<72x128xf32, #tpu.memory_space<vmem>>
        %dma_wait3A_196 = arith.constant 0 : i32
        %dma_wait3A_197 = tpu.memref_slice %arg6[%add3A_182, %dma_wait3A_196] : memref<10000x128xf32, #tpu.memory_space<vmem_shared>> -> memref<72x128xf32, #tpu.memory_space<vmem_shared>>
        %dma_wait3A_198 = arith.constant 0 : i32
        %dma_wait3A_199 = tpu.memref_slice %arg6[%add3A_182, %dma_wait3A_198] : memref<10000x128xf32, #tpu.memory_space<vmem_shared>> -> memref<72x128xf32, #tpu.memory_space<vmem_shared>>
        %dma_wait3A_200 = arith.constant 0 : i32
        %dma_wait3A_201 = arith.constant 0 : i32
        %dma_wait3A_202 = tpu.memref_slice %arg13[%dma_wait3A_200, %dma_wait3A_201] : memref<112x128xf32, #tpu.memory_space<vmem>> -> memref<72x128xf32, #tpu.memory_space<vmem>>
        tpu.wait_dma2 semaphore(%run_scoped3A : memref<!tpu.dma_semaphore, #tpu.memory_space<semaphore_mem>>) src(%dma_wait3A_202 : memref<72x128xf32, #tpu.memory_space<vmem>>) dst(%dma_wait3A_199 : memref<72x128xf32, #tpu.memory_space<vmem_shared>>)
        tpu.yield
      }) : () -> ()
    } else {
    }
    %eq3A = arith.constant 15 : i32
    %eq3A_12 = arith.cmpi eq, %arg1, %eq3A : i32
    %convert_element_type3A_13 = arith.extui %eq3A_12 : i1 to i32
    %cond3A_14 = arith.constant 0 : i32
    %cond3A_15 = arith.cmpi ne, %convert_element_type3A_13, %cond3A_14 : i32
    scf.if %cond3A_15 {
      %add3A_171 = arith.constant 0 : i32
      %add3A_172 = arith.addi %mul3A_4, %add3A_171 : i32
      "tpu.region"() ({
        %run_scoped3A = tpu.sem_alloc : memref<!tpu.dma_semaphore, #tpu.memory_space<semaphore_mem>>
        %dma_start3A_181 = arith.constant 0 : i32
        %dma_start3A_182 = tpu.memref_slice %arg6[%add3A_172, %dma_start3A_181] : memref<10000x128xf32, #tpu.memory_space<vmem_shared>> -> memref<112x128xf32, #tpu.memory_space<vmem_shared>>
        %dma_start3A_183 = arith.constant 0 : i32
        %dma_start3A_184 = tpu.memref_slice %arg6[%add3A_172, %dma_start3A_183] : memref<10000x128xf32, #tpu.memory_space<vmem_shared>> -> memref<112x128xf32, #tpu.memory_space<vmem_shared>>
        tpu.enqueue_dma source(%arg13 : memref<112x128xf32, #tpu.memory_space<vmem>>) target(%dma_start3A_184 : memref<112x128xf32, #tpu.memory_space<vmem_shared>>) target_semaphore(%run_scoped3A : memref<!tpu.dma_semaphore, #tpu.memory_space<semaphore_mem>>)
        %dma_wait3A_185 = arith.constant 0 : i32
        %dma_wait3A_186 = tpu.memref_slice %arg6[%add3A_172, %dma_wait3A_185] : memref<10000x128xf32, #tpu.memory_space<vmem_shared>> -> memref<112x128xf32, #tpu.memory_space<vmem_shared>>
        %dma_wait3A_187 = arith.constant 0 : i32
        %dma_wait3A_188 = tpu.memref_slice %arg6[%add3A_172, %dma_wait3A_187] : memref<10000x128xf32, #tpu.memory_space<vmem_shared>> -> memref<112x128xf32, #tpu.memory_space<vmem_shared>>
        tpu.wait_dma2 semaphore(%run_scoped3A : memref<!tpu.dma_semaphore, #tpu.memory_space<semaphore_mem>>) src(%arg13 : memref<112x128xf32, #tpu.memory_space<vmem>>) dst(%dma_wait3A_188 : memref<112x128xf32, #tpu.memory_space<vmem_shared>>)
        tpu.yield
      }) : () -> ()
      %add3A_173 = arith.constant 112 : i32
      %add3A_174 = arith.addi %mul3A_4, %add3A_173 : i32
      "tpu.region"() ({
        %run_scoped3A = tpu.sem_alloc : memref<!tpu.dma_semaphore, #tpu.memory_space<semaphore_mem>>
        %dma_start3A_181 = arith.constant 0 : i32
        %dma_start3A_182 = tpu.memref_slice %arg6[%add3A_174, %dma_start3A_181] : memref<10000x128xf32, #tpu.memory_space<vmem_shared>> -> memref<112x128xf32, #tpu.memory_space<vmem_shared>>
        %dma_start3A_183 = arith.constant 0 : i32
        %dma_start3A_184 = tpu.memref_slice %arg6[%add3A_174, %dma_start3A_183] : memref<10000x128xf32, #tpu.memory_space<vmem_shared>> -> memref<112x128xf32, #tpu.memory_space<vmem_shared>>
        tpu.enqueue_dma source(%arg13 : memref<112x128xf32, #tpu.memory_space<vmem>>) target(%dma_start3A_184 : memref<112x128xf32, #tpu.memory_space<vmem_shared>>) target_semaphore(%run_scoped3A : memref<!tpu.dma_semaphore, #tpu.memory_space<semaphore_mem>>)
        %dma_wait3A_185 = arith.constant 0 : i32
        %dma_wait3A_186 = tpu.memref_slice %arg6[%add3A_174, %dma_wait3A_185] : memref<10000x128xf32, #tpu.memory_space<vmem_shared>> -> memref<112x128xf32, #tpu.memory_space<vmem_shared>>
        %dma_wait3A_187 = arith.constant 0 : i32
        %dma_wait3A_188 = tpu.memref_slice %arg6[%add3A_174, %dma_wait3A_187] : memref<10000x128xf32, #tpu.memory_space<vmem_shared>> -> memref<112x128xf32, #tpu.memory_space<vmem_shared>>
        tpu.wait_dma2 semaphore(%run_scoped3A : memref<!tpu.dma_semaphore, #tpu.memory_space<semaphore_mem>>) src(%arg13 : memref<112x128xf32, #tpu.memory_space<vmem>>) dst(%dma_wait3A_188 : memref<112x128xf32, #tpu.memory_space<vmem_shared>>)
        tpu.yield
      }) : () -> ()
      %add3A_175 = arith.constant 224 : i32
      %add3A_176 = arith.addi %mul3A_4, %add3A_175 : i32
      "tpu.region"() ({
        %run_scoped3A = tpu.sem_alloc : memref<!tpu.dma_semaphore, #tpu.memory_space<semaphore_mem>>
        %dma_start3A_181 = arith.constant 0 : i32
        %dma_start3A_182 = tpu.memref_slice %arg6[%add3A_176, %dma_start3A_181] : memref<10000x128xf32, #tpu.memory_space<vmem_shared>> -> memref<112x128xf32, #tpu.memory_space<vmem_shared>>
        %dma_start3A_183 = arith.constant 0 : i32
        %dma_start3A_184 = tpu.memref_slice %arg6[%add3A_176, %dma_start3A_183] : memref<10000x128xf32, #tpu.memory_space<vmem_shared>> -> memref<112x128xf32, #tpu.memory_space<vmem_shared>>
        tpu.enqueue_dma source(%arg13 : memref<112x128xf32, #tpu.memory_space<vmem>>) target(%dma_start3A_184 : memref<112x128xf32, #tpu.memory_space<vmem_shared>>) target_semaphore(%run_scoped3A : memref<!tpu.dma_semaphore, #tpu.memory_space<semaphore_mem>>)
        %dma_wait3A_185 = arith.constant 0 : i32
        %dma_wait3A_186 = tpu.memref_slice %arg6[%add3A_176, %dma_wait3A_185] : memref<10000x128xf32, #tpu.memory_space<vmem_shared>> -> memref<112x128xf32, #tpu.memory_space<vmem_shared>>
        %dma_wait3A_187 = arith.constant 0 : i32
        %dma_wait3A_188 = tpu.memref_slice %arg6[%add3A_176, %dma_wait3A_187] : memref<10000x128xf32, #tpu.memory_space<vmem_shared>> -> memref<112x128xf32, #tpu.memory_space<vmem_shared>>
        tpu.wait_dma2 semaphore(%run_scoped3A : memref<!tpu.dma_semaphore, #tpu.memory_space<semaphore_mem>>) src(%arg13 : memref<112x128xf32, #tpu.memory_space<vmem>>) dst(%dma_wait3A_188 : memref<112x128xf32, #tpu.memory_space<vmem_shared>>)
        tpu.yield
      }) : () -> ()
      %add3A_177 = arith.constant 336 : i32
      %add3A_178 = arith.addi %mul3A_4, %add3A_177 : i32
      "tpu.region"() ({
        %run_scoped3A = tpu.sem_alloc : memref<!tpu.dma_semaphore, #tpu.memory_space<semaphore_mem>>
        %dma_start3A_181 = arith.constant 0 : i32
        %dma_start3A_182 = tpu.memref_slice %arg6[%add3A_178, %dma_start3A_181] : memref<10000x128xf32, #tpu.memory_space<vmem_shared>> -> memref<112x128xf32, #tpu.memory_space<vmem_shared>>
        %dma_start3A_183 = arith.constant 0 : i32
        %dma_start3A_184 = tpu.memref_slice %arg6[%add3A_178, %dma_start3A_183] : memref<10000x128xf32, #tpu.memory_space<vmem_shared>> -> memref<112x128xf32, #tpu.memory_space<vmem_shared>>
        tpu.enqueue_dma source(%arg13 : memref<112x128xf32, #tpu.memory_space<vmem>>) target(%dma_start3A_184 : memref<112x128xf32, #tpu.memory_space<vmem_shared>>) target_semaphore(%run_scoped3A : memref<!tpu.dma_semaphore, #tpu.memory_space<semaphore_mem>>)
        %dma_wait3A_185 = arith.constant 0 : i32
        %dma_wait3A_186 = tpu.memref_slice %arg6[%add3A_178, %dma_wait3A_185] : memref<10000x128xf32, #tpu.memory_space<vmem_shared>> -> memref<112x128xf32, #tpu.memory_space<vmem_shared>>
        %dma_wait3A_187 = arith.constant 0 : i32
        %dma_wait3A_188 = tpu.memref_slice %arg6[%add3A_178, %dma_wait3A_187] : memref<10000x128xf32, #tpu.memory_space<vmem_shared>> -> memref<112x128xf32, #tpu.memory_space<vmem_shared>>
        tpu.wait_dma2 semaphore(%run_scoped3A : memref<!tpu.dma_semaphore, #tpu.memory_space<semaphore_mem>>) src(%arg13 : memref<112x128xf32, #tpu.memory_space<vmem>>) dst(%dma_wait3A_188 : memref<112x128xf32, #tpu.memory_space<vmem_shared>>)
        tpu.yield
      }) : () -> ()
      %add3A_179 = arith.constant 448 : i32
      %add3A_180 = arith.addi %mul3A_4, %add3A_179 : i32
      "tpu.region"() ({
        %run_scoped3A = tpu.sem_alloc : memref<!tpu.dma_semaphore, #tpu.memory_space<semaphore_mem>>
        %dma_start3A_181 = arith.constant 0 : i32
        %dma_start3A_182 = arith.constant 0 : i32
        %dma_start3A_183 = tpu.memref_slice %arg13[%dma_start3A_181, %dma_start3A_182] : memref<112x128xf32, #tpu.memory_space<vmem>> -> memref<72x128xf32, #tpu.memory_space<vmem>>
        %dma_start3A_184 = arith.constant 0 : i32
        %dma_start3A_185 = tpu.memref_slice %arg6[%add3A_180, %dma_start3A_184] : memref<10000x128xf32, #tpu.memory_space<vmem_shared>> -> memref<72x128xf32, #tpu.memory_space<vmem_shared>>
        %dma_start3A_186 = arith.constant 0 : i32
        %dma_start3A_187 = tpu.memref_slice %arg6[%add3A_180, %dma_start3A_186] : memref<10000x128xf32, #tpu.memory_space<vmem_shared>> -> memref<72x128xf32, #tpu.memory_space<vmem_shared>>
        %dma_start3A_188 = arith.constant 0 : i32
        %dma_start3A_189 = arith.constant 0 : i32
        %dma_start3A_190 = tpu.memref_slice %arg13[%dma_start3A_188, %dma_start3A_189] : memref<112x128xf32, #tpu.memory_space<vmem>> -> memref<72x128xf32, #tpu.memory_space<vmem>>
        tpu.enqueue_dma source(%dma_start3A_190 : memref<72x128xf32, #tpu.memory_space<vmem>>) target(%dma_start3A_187 : memref<72x128xf32, #tpu.memory_space<vmem_shared>>) target_semaphore(%run_scoped3A : memref<!tpu.dma_semaphore, #tpu.memory_space<semaphore_mem>>)
        %dma_wait3A_191 = arith.constant 0 : i32
        %dma_wait3A_192 = arith.constant 0 : i32
        %dma_wait3A_193 = tpu.memref_slice %arg13[%dma_wait3A_191, %dma_wait3A_192] : memref<112x128xf32, #tpu.memory_space<vmem>> -> memref<72x128xf32, #tpu.memory_space<vmem>>
        %dma_wait3A_194 = arith.constant 0 : i32
        %dma_wait3A_195 = tpu.memref_slice %arg6[%add3A_180, %dma_wait3A_194] : memref<10000x128xf32, #tpu.memory_space<vmem_shared>> -> memref<72x128xf32, #tpu.memory_space<vmem_shared>>
        %dma_wait3A_196 = arith.constant 0 : i32
        %dma_wait3A_197 = tpu.memref_slice %arg6[%add3A_180, %dma_wait3A_196] : memref<10000x128xf32, #tpu.memory_space<vmem_shared>> -> memref<72x128xf32, #tpu.memory_space<vmem_shared>>
        %dma_wait3A_198 = arith.constant 0 : i32
        %dma_wait3A_199 = arith.constant 0 : i32
        %dma_wait3A_200 = tpu.memref_slice %arg13[%dma_wait3A_198, %dma_wait3A_199] : memref<112x128xf32, #tpu.memory_space<vmem>> -> memref<72x128xf32, #tpu.memory_space<vmem>>
        tpu.wait_dma2 semaphore(%run_scoped3A : memref<!tpu.dma_semaphore, #tpu.memory_space<semaphore_mem>>) src(%dma_wait3A_200 : memref<72x128xf32, #tpu.memory_space<vmem>>) dst(%dma_wait3A_197 : memref<72x128xf32, #tpu.memory_space<vmem_shared>>)
        tpu.yield
      }) : () -> ()
    } else {
    }
    %barrier3A = arith.constant 0 : index
    tpu.barrier barrier_id(%barrier3A)
    %add3A_16 = arith.constant 0 : i32
    %add3A_17 = arith.addi %mul3A_2, %add3A_16 : i32
    %dma_start3A = tpu.memref_slice %arg3[%add3A_17] : memref<329728xi32, #tpu.memory_space<hbm>> -> memref<112xi32, #tpu.memory_space<hbm>>
    %dma_start3A_18 = tpu.memref_slice %arg3[%add3A_17] : memref<329728xi32, #tpu.memory_space<hbm>> -> memref<112xi32, #tpu.memory_space<hbm>>
    tpu.enqueue_dma source(%dma_start3A_18 : memref<112xi32, #tpu.memory_space<hbm>>) target(%arg7 : memref<112xi32, #tpu.memory_space<vmem>>) target_semaphore(%arg19 : memref<!tpu.dma_semaphore, #tpu.memory_space<semaphore_mem>>)
    %add3A_19 = arith.constant 0 : i32
    %add3A_20 = arith.addi %mul3A_2, %add3A_19 : i32
    %dma_start3A_21 = tpu.memref_slice %arg4[%add3A_20] : memref<329728xi32, #tpu.memory_space<hbm>> -> memref<112xi32, #tpu.memory_space<hbm>>
    %dma_start3A_22 = tpu.memref_slice %arg4[%add3A_20] : memref<329728xi32, #tpu.memory_space<hbm>> -> memref<112xi32, #tpu.memory_space<hbm>>
    tpu.enqueue_dma source(%dma_start3A_22 : memref<112xi32, #tpu.memory_space<hbm>>) target(%arg10 : memref<112xi32, #tpu.memory_space<vmem>>) target_semaphore(%arg22 : memref<!tpu.dma_semaphore, #tpu.memory_space<semaphore_mem>>)
    %add3A_23 = arith.constant 112 : i32
    %add3A_24 = arith.addi %mul3A_2, %add3A_23 : i32
    %dma_start3A_25 = tpu.memref_slice %arg3[%add3A_24] : memref<329728xi32, #tpu.memory_space<hbm>> -> memref<112xi32, #tpu.memory_space<hbm>>
    %dma_start3A_26 = tpu.memref_slice %arg3[%add3A_24] : memref<329728xi32, #tpu.memory_space<hbm>> -> memref<112xi32, #tpu.memory_space<hbm>>
    tpu.enqueue_dma source(%dma_start3A_26 : memref<112xi32, #tpu.memory_space<hbm>>) target(%arg8 : memref<112xi32, #tpu.memory_space<vmem>>) target_semaphore(%arg20 : memref<!tpu.dma_semaphore, #tpu.memory_space<semaphore_mem>>)
    %add3A_27 = arith.constant 112 : i32
    %add3A_28 = arith.addi %mul3A_2, %add3A_27 : i32
    %dma_start3A_29 = tpu.memref_slice %arg4[%add3A_28] : memref<329728xi32, #tpu.memory_space<hbm>> -> memref<112xi32, #tpu.memory_space<hbm>>
    %dma_start3A_30 = tpu.memref_slice %arg4[%add3A_28] : memref<329728xi32, #tpu.memory_space<hbm>> -> memref<112xi32, #tpu.memory_space<hbm>>
    tpu.enqueue_dma source(%dma_start3A_30 : memref<112xi32, #tpu.memory_space<hbm>>) target(%arg11 : memref<112xi32, #tpu.memory_space<vmem>>) target_semaphore(%arg23 : memref<!tpu.dma_semaphore, #tpu.memory_space<semaphore_mem>>)
    %dma_wait3A = arith.constant 0 : i32
    %dma_wait3A_31 = tpu.memref_slice %arg3[%dma_wait3A] : memref<329728xi32, #tpu.memory_space<hbm>> -> memref<112xi32, #tpu.memory_space<hbm>>
    %dma_wait3A_32 = arith.constant 0 : i32
    %dma_wait3A_33 = tpu.memref_slice %arg3[%dma_wait3A_32] : memref<329728xi32, #tpu.memory_space<hbm>> -> memref<112xi32, #tpu.memory_space<hbm>>
    tpu.wait_dma2 semaphore(%arg19 : memref<!tpu.dma_semaphore, #tpu.memory_space<semaphore_mem>>) src(%dma_wait3A_33 : memref<112xi32, #tpu.memory_space<hbm>>) dst(%arg7 : memref<112xi32, #tpu.memory_space<vmem>>)
    %dma_start3A_34 = arith.constant 0 : i32
    %dma_start3A_35 = arith.constant 0 : i32
    %dma_start3A_36 = tpu.memref_slice %arg2[%dma_start3A_34, %dma_start3A_35] : memref<10008x128xf32, #tpu.memory_space<hbm>> -> memref<10008x128xf32, #tpu.memory_space<hbm>>
    tpu.enqueue_indirect_dma source(%dma_start3A_36 : memref<10008x128xf32, #tpu.memory_space<hbm>>) target(%arg13 : memref<112x128xf32, #tpu.memory_space<vmem>>) offsets(%arg7 : memref<112xi32, #tpu.memory_space<vmem>>) semaphore(%arg16 : memref<!tpu.dma_semaphore, #tpu.memory_space<semaphore_mem>>)
    %dma_wait3A_37 = arith.constant 0 : i32
    %dma_wait3A_38 = tpu.memref_slice %arg3[%dma_wait3A_37] : memref<329728xi32, #tpu.memory_space<hbm>> -> memref<112xi32, #tpu.memory_space<hbm>>
    %dma_wait3A_39 = arith.constant 0 : i32
    %dma_wait3A_40 = tpu.memref_slice %arg3[%dma_wait3A_39] : memref<329728xi32, #tpu.memory_space<hbm>> -> memref<112xi32, #tpu.memory_space<hbm>>
    tpu.wait_dma2 semaphore(%arg20 : memref<!tpu.dma_semaphore, #tpu.memory_space<semaphore_mem>>) src(%dma_wait3A_40 : memref<112xi32, #tpu.memory_space<hbm>>) dst(%arg8 : memref<112xi32, #tpu.memory_space<vmem>>)
    %dma_start3A_41 = arith.constant 0 : i32
    %dma_start3A_42 = arith.constant 0 : i32
    %dma_start3A_43 = tpu.memref_slice %arg2[%dma_start3A_41, %dma_start3A_42] : memref<10008x128xf32, #tpu.memory_space<hbm>> -> memref<10008x128xf32, #tpu.memory_space<hbm>>
    tpu.enqueue_indirect_dma source(%dma_start3A_43 : memref<10008x128xf32, #tpu.memory_space<hbm>>) target(%arg14 : memref<112x128xf32, #tpu.memory_space<vmem>>) offsets(%arg8 : memref<112xi32, #tpu.memory_space<vmem>>) semaphore(%arg17 : memref<!tpu.dma_semaphore, #tpu.memory_space<semaphore_mem>>)
    %add3A_44 = arith.constant 224 : i32
    %add3A_45 = arith.addi %mul3A_2, %add3A_44 : i32
    %dma_start3A_46 = tpu.memref_slice %arg3[%add3A_45] : memref<329728xi32, #tpu.memory_space<hbm>> -> memref<112xi32, #tpu.memory_space<hbm>>
    %dma_start3A_47 = tpu.memref_slice %arg3[%add3A_45] : memref<329728xi32, #tpu.memory_space<hbm>> -> memref<112xi32, #tpu.memory_space<hbm>>
    tpu.enqueue_dma source(%dma_start3A_47 : memref<112xi32, #tpu.memory_space<hbm>>) target(%arg9 : memref<112xi32, #tpu.memory_space<vmem>>) target_semaphore(%arg21 : memref<!tpu.dma_semaphore, #tpu.memory_space<semaphore_mem>>)
    %add3A_48 = arith.constant 224 : i32
    %add3A_49 = arith.addi %mul3A_2, %add3A_48 : i32
    %dma_start3A_50 = tpu.memref_slice %arg4[%add3A_49] : memref<329728xi32, #tpu.memory_space<hbm>> -> memref<112xi32, #tpu.memory_space<hbm>>
    %dma_start3A_51 = tpu.memref_slice %arg4[%add3A_49] : memref<329728xi32, #tpu.memory_space<hbm>> -> memref<112xi32, #tpu.memory_space<hbm>>
    tpu.enqueue_dma source(%dma_start3A_51 : memref<112xi32, #tpu.memory_space<hbm>>) target(%arg12 : memref<112xi32, #tpu.memory_space<vmem>>) target_semaphore(%arg24 : memref<!tpu.dma_semaphore, #tpu.memory_space<semaphore_mem>>)
    %dma_wait3A_52 = arith.constant 0 : i32
    %dma_wait3A_53 = arith.constant 0 : i32
    %dma_wait3A_54 = tpu.memref_slice %arg2[%dma_wait3A_52, %dma_wait3A_53] : memref<10008x128xf32, #tpu.memory_space<hbm>> -> memref<10008x128xf32, #tpu.memory_space<hbm>>
    tpu.wait_indirect_dma semaphore(%arg16 : memref<!tpu.dma_semaphore, #tpu.memory_space<semaphore_mem>>) src(%dma_wait3A_54 : memref<10008x128xf32, #tpu.memory_space<hbm>>) dst(%arg13 : memref<112x128xf32, #tpu.memory_space<vmem>>)
    %dma_wait3A_55 = arith.constant 0 : i32
    %dma_wait3A_56 = tpu.memref_slice %arg4[%dma_wait3A_55] : memref<329728xi32, #tpu.memory_space<hbm>> -> memref<112xi32, #tpu.memory_space<hbm>>
    %dma_wait3A_57 = arith.constant 0 : i32
    %dma_wait3A_58 = tpu.memref_slice %arg4[%dma_wait3A_57] : memref<329728xi32, #tpu.memory_space<hbm>> -> memref<112xi32, #tpu.memory_space<hbm>>
    tpu.wait_dma2 semaphore(%arg22 : memref<!tpu.dma_semaphore, #tpu.memory_space<semaphore_mem>>) src(%dma_wait3A_58 : memref<112xi32, #tpu.memory_space<hbm>>) dst(%arg10 : memref<112xi32, #tpu.memory_space<vmem>>)
    %dma_start3A_59 = arith.constant 0 : i32
    %dma_start3A_60 = arith.constant 0 : i32
    %dma_start3A_61 = tpu.memref_slice %arg6[%dma_start3A_59, %dma_start3A_60] : memref<10000x128xf32, #tpu.memory_space<vmem_shared>> -> memref<10000x128xf32, #tpu.memory_space<vmem_shared>>
    tpu.enqueue_indirect_dma source(%arg13 : memref<112x128xf32, #tpu.memory_space<vmem>>) target(%dma_start3A_61 : memref<10000x128xf32, #tpu.memory_space<vmem_shared>>) offsets(%arg10 : memref<112xi32, #tpu.memory_space<vmem>>) semaphore(%arg25 : memref<!tpu.dma_semaphore, #tpu.memory_space<semaphore_mem>>) {add = true}
    %dma_wait3A_62 = arith.constant 0 : i32
    %dma_wait3A_63 = tpu.memref_slice %arg3[%dma_wait3A_62] : memref<329728xi32, #tpu.memory_space<hbm>> -> memref<112xi32, #tpu.memory_space<hbm>>
    %dma_wait3A_64 = arith.constant 0 : i32
    %dma_wait3A_65 = tpu.memref_slice %arg3[%dma_wait3A_64] : memref<329728xi32, #tpu.memory_space<hbm>> -> memref<112xi32, #tpu.memory_space<hbm>>
    tpu.wait_dma2 semaphore(%arg21 : memref<!tpu.dma_semaphore, #tpu.memory_space<semaphore_mem>>) src(%dma_wait3A_65 : memref<112xi32, #tpu.memory_space<hbm>>) dst(%arg9 : memref<112xi32, #tpu.memory_space<vmem>>)
    %dma_start3A_66 = arith.constant 0 : i32
    %dma_start3A_67 = arith.constant 0 : i32
    %dma_start3A_68 = tpu.memref_slice %arg2[%dma_start3A_66, %dma_start3A_67] : memref<10008x128xf32, #tpu.memory_space<hbm>> -> memref<10008x128xf32, #tpu.memory_space<hbm>>
    tpu.enqueue_indirect_dma source(%dma_start3A_68 : memref<10008x128xf32, #tpu.memory_space<hbm>>) target(%arg15 : memref<112x128xf32, #tpu.memory_space<vmem>>) offsets(%arg9 : memref<112xi32, #tpu.memory_space<vmem>>) semaphore(%arg18 : memref<!tpu.dma_semaphore, #tpu.memory_space<semaphore_mem>>)
    %dma_wait3A_69 = arith.constant 0 : i32
    %dma_wait3A_70 = arith.constant 0 : i32
    %dma_wait3A_71 = tpu.memref_slice %arg6[%dma_wait3A_69, %dma_wait3A_70] : memref<10000x128xf32, #tpu.memory_space<vmem_shared>> -> memref<10000x128xf32, #tpu.memory_space<vmem_shared>>
    tpu.wait_indirect_dma semaphore(%arg25 : memref<!tpu.dma_semaphore, #tpu.memory_space<semaphore_mem>>) src(%arg13 : memref<112x128xf32, #tpu.memory_space<vmem>>) dst(%dma_wait3A_71 : memref<10000x128xf32, #tpu.memory_space<vmem_shared>>)
    %add3A_72 = arith.constant 336 : i32
    %add3A_73 = arith.addi %mul3A_2, %add3A_72 : i32
    %dma_start3A_74 = tpu.memref_slice %arg3[%add3A_73] : memref<329728xi32, #tpu.memory_space<hbm>> -> memref<112xi32, #tpu.memory_space<hbm>>
    %dma_start3A_75 = tpu.memref_slice %arg3[%add3A_73] : memref<329728xi32, #tpu.memory_space<hbm>> -> memref<112xi32, #tpu.memory_space<hbm>>
    tpu.enqueue_dma source(%dma_start3A_75 : memref<112xi32, #tpu.memory_space<hbm>>) target(%arg7 : memref<112xi32, #tpu.memory_space<vmem>>) target_semaphore(%arg19 : memref<!tpu.dma_semaphore, #tpu.memory_space<semaphore_mem>>)
    %add3A_76 = arith.constant 336 : i32
    %add3A_77 = arith.addi %mul3A_2, %add3A_76 : i32
    %dma_start3A_78 = tpu.memref_slice %arg4[%add3A_77] : memref<329728xi32, #tpu.memory_space<hbm>> -> memref<112xi32, #tpu.memory_space<hbm>>
    %dma_start3A_79 = tpu.memref_slice %arg4[%add3A_77] : memref<329728xi32, #tpu.memory_space<hbm>> -> memref<112xi32, #tpu.memory_space<hbm>>
    tpu.enqueue_dma source(%dma_start3A_79 : memref<112xi32, #tpu.memory_space<hbm>>) target(%arg10 : memref<112xi32, #tpu.memory_space<vmem>>) target_semaphore(%arg22 : memref<!tpu.dma_semaphore, #tpu.memory_space<semaphore_mem>>)
    %dma_wait3A_80 = arith.constant 0 : i32
    %dma_wait3A_81 = arith.constant 0 : i32
    %dma_wait3A_82 = tpu.memref_slice %arg2[%dma_wait3A_80, %dma_wait3A_81] : memref<10008x128xf32, #tpu.memory_space<hbm>> -> memref<10008x128xf32, #tpu.memory_space<hbm>>
    tpu.wait_indirect_dma semaphore(%arg17 : memref<!tpu.dma_semaphore, #tpu.memory_space<semaphore_mem>>) src(%dma_wait3A_82 : memref<10008x128xf32, #tpu.memory_space<hbm>>) dst(%arg14 : memref<112x128xf32, #tpu.memory_space<vmem>>)
    %dma_wait3A_83 = arith.constant 0 : i32
    %dma_wait3A_84 = tpu.memref_slice %arg4[%dma_wait3A_83] : memref<329728xi32, #tpu.memory_space<hbm>> -> memref<112xi32, #tpu.memory_space<hbm>>
    %dma_wait3A_85 = arith.constant 0 : i32
    %dma_wait3A_86 = tpu.memref_slice %arg4[%dma_wait3A_85] : memref<329728xi32, #tpu.memory_space<hbm>> -> memref<112xi32, #tpu.memory_space<hbm>>
    tpu.wait_dma2 semaphore(%arg23 : memref<!tpu.dma_semaphore, #tpu.memory_space<semaphore_mem>>) src(%dma_wait3A_86 : memref<112xi32, #tpu.memory_space<hbm>>) dst(%arg11 : memref<112xi32, #tpu.memory_space<vmem>>)
    %dma_start3A_87 = arith.constant 0 : i32
    %dma_start3A_88 = arith.constant 0 : i32
    %dma_start3A_89 = tpu.memref_slice %arg6[%dma_start3A_87, %dma_start3A_88] : memref<10000x128xf32, #tpu.memory_space<vmem_shared>> -> memref<10000x128xf32, #tpu.memory_space<vmem_shared>>
    tpu.enqueue_indirect_dma source(%arg14 : memref<112x128xf32, #tpu.memory_space<vmem>>) target(%dma_start3A_89 : memref<10000x128xf32, #tpu.memory_space<vmem_shared>>) offsets(%arg11 : memref<112xi32, #tpu.memory_space<vmem>>) semaphore(%arg26 : memref<!tpu.dma_semaphore, #tpu.memory_space<semaphore_mem>>) {add = true}
    %dma_wait3A_90 = arith.constant 0 : i32
    %dma_wait3A_91 = tpu.memref_slice %arg3[%dma_wait3A_90] : memref<329728xi32, #tpu.memory_space<hbm>> -> memref<112xi32, #tpu.memory_space<hbm>>
    %dma_wait3A_92 = arith.constant 0 : i32
    %dma_wait3A_93 = tpu.memref_slice %arg3[%dma_wait3A_92] : memref<329728xi32, #tpu.memory_space<hbm>> -> memref<112xi32, #tpu.memory_space<hbm>>
    tpu.wait_dma2 semaphore(%arg19 : memref<!tpu.dma_semaphore, #tpu.memory_space<semaphore_mem>>) src(%dma_wait3A_93 : memref<112xi32, #tpu.memory_space<hbm>>) dst(%arg7 : memref<112xi32, #tpu.memory_space<vmem>>)
    %dma_start3A_94 = arith.constant 0 : i32
    %dma_start3A_95 = arith.constant 0 : i32
    %dma_start3A_96 = tpu.memref_slice %arg2[%dma_start3A_94, %dma_start3A_95] : memref<10008x128xf32, #tpu.memory_space<hbm>> -> memref<10008x128xf32, #tpu.memory_space<hbm>>
    tpu.enqueue_indirect_dma source(%dma_start3A_96 : memref<10008x128xf32, #tpu.memory_space<hbm>>) target(%arg13 : memref<112x128xf32, #tpu.memory_space<vmem>>) offsets(%arg7 : memref<112xi32, #tpu.memory_space<vmem>>) semaphore(%arg16 : memref<!tpu.dma_semaphore, #tpu.memory_space<semaphore_mem>>)
    %dma_wait3A_97 = arith.constant 0 : i32
    %dma_wait3A_98 = arith.constant 0 : i32
    %dma_wait3A_99 = tpu.memref_slice %arg6[%dma_wait3A_97, %dma_wait3A_98] : memref<10000x128xf32, #tpu.memory_space<vmem_shared>> -> memref<10000x128xf32, #tpu.memory_space<vmem_shared>>
    tpu.wait_indirect_dma semaphore(%arg26 : memref<!tpu.dma_semaphore, #tpu.memory_space<semaphore_mem>>) src(%arg14 : memref<112x128xf32, #tpu.memory_space<vmem>>) dst(%dma_wait3A_99 : memref<10000x128xf32, #tpu.memory_space<vmem_shared>>)
    %add3A_100 = arith.constant 448 : i32
    %add3A_101 = arith.addi %mul3A_2, %add3A_100 : i32
    %dma_start3A_102 = tpu.memref_slice %arg3[%add3A_101] : memref<329728xi32, #tpu.memory_space<hbm>> -> memref<112xi32, #tpu.memory_space<hbm>>
    %dma_start3A_103 = tpu.memref_slice %arg3[%add3A_101] : memref<329728xi32, #tpu.memory_space<hbm>> -> memref<112xi32, #tpu.memory_space<hbm>>
    tpu.enqueue_dma source(%dma_start3A_103 : memref<112xi32, #tpu.memory_space<hbm>>) target(%arg8 : memref<112xi32, #tpu.memory_space<vmem>>) target_semaphore(%arg20 : memref<!tpu.dma_semaphore, #tpu.memory_space<semaphore_mem>>)
    %add3A_104 = arith.constant 448 : i32
    %add3A_105 = arith.addi %mul3A_2, %add3A_104 : i32
    %dma_start3A_106 = tpu.memref_slice %arg4[%add3A_105] : memref<329728xi32, #tpu.memory_space<hbm>> -> memref<112xi32, #tpu.memory_space<hbm>>
    %dma_start3A_107 = tpu.memref_slice %arg4[%add3A_105] : memref<329728xi32, #tpu.memory_space<hbm>> -> memref<112xi32, #tpu.memory_space<hbm>>
    tpu.enqueue_dma source(%dma_start3A_107 : memref<112xi32, #tpu.memory_space<hbm>>) target(%arg11 : memref<112xi32, #tpu.memory_space<vmem>>) target_semaphore(%arg23 : memref<!tpu.dma_semaphore, #tpu.memory_space<semaphore_mem>>)
    %dma_wait3A_108 = arith.constant 0 : i32
    %dma_wait3A_109 = arith.constant 0 : i32
    %dma_wait3A_110 = tpu.memref_slice %arg2[%dma_wait3A_108, %dma_wait3A_109] : memref<10008x128xf32, #tpu.memory_space<hbm>> -> memref<10008x128xf32, #tpu.memory_space<hbm>>
    tpu.wait_indirect_dma semaphore(%arg18 : memref<!tpu.dma_semaphore, #tpu.memory_space<semaphore_mem>>) src(%dma_wait3A_110 : memref<10008x128xf32, #tpu.memory_space<hbm>>) dst(%arg15 : memref<112x128xf32, #tpu.memory_space<vmem>>)
    %dma_wait3A_111 = arith.constant 0 : i32
    %dma_wait3A_112 = tpu.memref_slice %arg4[%dma_wait3A_111] : memref<329728xi32, #tpu.memory_space<hbm>> -> memref<112xi32, #tpu.memory_space<hbm>>
    %dma_wait3A_113 = arith.constant 0 : i32
    %dma_wait3A_114 = tpu.memref_slice %arg4[%dma_wait3A_113] : memref<329728xi32, #tpu.memory_space<hbm>> -> memref<112xi32, #tpu.memory_space<hbm>>
    tpu.wait_dma2 semaphore(%arg24 : memref<!tpu.dma_semaphore, #tpu.memory_space<semaphore_mem>>) src(%dma_wait3A_114 : memref<112xi32, #tpu.memory_space<hbm>>) dst(%arg12 : memref<112xi32, #tpu.memory_space<vmem>>)
    %dma_start3A_115 = arith.constant 0 : i32
    %dma_start3A_116 = arith.constant 0 : i32
    %dma_start3A_117 = tpu.memref_slice %arg6[%dma_start3A_115, %dma_start3A_116] : memref<10000x128xf32, #tpu.memory_space<vmem_shared>> -> memref<10000x128xf32, #tpu.memory_space<vmem_shared>>
    tpu.enqueue_indirect_dma source(%arg15 : memref<112x128xf32, #tpu.memory_space<vmem>>) target(%dma_start3A_117 : memref<10000x128xf32, #tpu.memory_space<vmem_shared>>) offsets(%arg12 : memref<112xi32, #tpu.memory_space<vmem>>) semaphore(%arg27 : memref<!tpu.dma_semaphore, #tpu.memory_space<semaphore_mem>>) {add = true}
    %dma_wait3A_118 = arith.constant 0 : i32
    %dma_wait3A_119 = tpu.memref_slice %arg3[%dma_wait3A_118] : memref<329728xi32, #tpu.memory_space<hbm>> -> memref<112xi32, #tpu.memory_space<hbm>>
    %dma_wait3A_120 = arith.constant 0 : i32
    %dma_wait3A_121 = tpu.memref_slice %arg3[%dma_wait3A_120] : memref<329728xi32, #tpu.memory_space<hbm>> -> memref<112xi32, #tpu.memory_space<hbm>>
    tpu.wait_dma2 semaphore(%arg20 : memref<!tpu.dma_semaphore, #tpu.memory_space<semaphore_mem>>) src(%dma_wait3A_121 : memref<112xi32, #tpu.memory_space<hbm>>) dst(%arg8 : memref<112xi32, #tpu.memory_space<vmem>>)
    %dma_start3A_122 = arith.constant 0 : i32
    %dma_start3A_123 = arith.constant 0 : i32
    %dma_start3A_124 = tpu.memref_slice %arg2[%dma_start3A_122, %dma_start3A_123] : memref<10008x128xf32, #tpu.memory_space<hbm>> -> memref<10008x128xf32, #tpu.memory_space<hbm>>
    tpu.enqueue_indirect_dma source(%dma_start3A_124 : memref<10008x128xf32, #tpu.memory_space<hbm>>) target(%arg14 : memref<112x128xf32, #tpu.memory_space<vmem>>) offsets(%arg8 : memref<112xi32, #tpu.memory_space<vmem>>) semaphore(%arg17 : memref<!tpu.dma_semaphore, #tpu.memory_space<semaphore_mem>>)
    %scan3A_125 = arith.constant 0 : i32
    %scan3A_126 = arith.constant 0 : i32
    %scan3A_127 = arith.constant 29 : i32
    %scan3A_128 = arith.addi %scan3A_126, %scan3A_127 : i32
    %scan3A_129 = arith.constant 1 : i32
    scf.for %scan3A_171 = %scan3A_126 to %scan3A_128 step %scan3A_129  : i32 {
      %mul3A_172 = arith.constant 3 : i32
      %mul3A_173 = arith.muli %scan3A_171, %mul3A_172 : i32
      %add3A_174 = arith.constant 3 : i32
      %add3A_175 = arith.addi %add3A_174, %mul3A_173 : i32
      %add3A_176 = arith.constant 0 : i32
      %add3A_177 = arith.addi %add3A_175, %add3A_176 : i32
      %dma_wait3A_178 = arith.constant 0 : i32
      %dma_wait3A_179 = arith.constant 0 : i32
      %dma_wait3A_180 = tpu.memref_slice %arg6[%dma_wait3A_178, %dma_wait3A_179] : memref<10000x128xf32, #tpu.memory_space<vmem_shared>> -> memref<10000x128xf32, #tpu.memory_space<vmem_shared>>
      tpu.wait_indirect_dma semaphore(%arg27 : memref<!tpu.dma_semaphore, #tpu.memory_space<semaphore_mem>>) src(%arg15 : memref<112x128xf32, #tpu.memory_space<vmem>>) dst(%dma_wait3A_180 : memref<10000x128xf32, #tpu.memory_space<vmem_shared>>)
      %add3A_181 = arith.constant 2 : i32
      %add3A_182 = arith.addi %add3A_177, %add3A_181 : i32
      %mul3A_183 = arith.constant 112 : i32
      %mul3A_184 = arith.muli %add3A_182, %mul3A_183 : i32
      %add3A_185 = arith.addi %mul3A_2, %mul3A_184 : i32
      %dma_start3A_186 = tpu.memref_slice %arg3[%add3A_185] : memref<329728xi32, #tpu.memory_space<hbm>> -> memref<112xi32, #tpu.memory_space<hbm>>
      %dma_start3A_187 = tpu.memref_slice %arg3[%add3A_185] : memref<329728xi32, #tpu.memory_space<hbm>> -> memref<112xi32, #tpu.memory_space<hbm>>
      tpu.enqueue_dma source(%dma_start3A_187 : memref<112xi32, #tpu.memory_space<hbm>>) target(%arg9 : memref<112xi32, #tpu.memory_space<vmem>>) target_semaphore(%arg21 : memref<!tpu.dma_semaphore, #tpu.memory_space<semaphore_mem>>)
      %add3A_188 = arith.constant 2 : i32
      %add3A_189 = arith.addi %add3A_177, %add3A_188 : i32
      %mul3A_190 = arith.constant 112 : i32
      %mul3A_191 = arith.muli %add3A_189, %mul3A_190 : i32
      %add3A_192 = arith.addi %mul3A_2, %mul3A_191 : i32
      %dma_start3A_193 = tpu.memref_slice %arg4[%add3A_192] : memref<329728xi32, #tpu.memory_space<hbm>> -> memref<112xi32, #tpu.memory_space<hbm>>
      %dma_start3A_194 = tpu.memref_slice %arg4[%add3A_192] : memref<329728xi32, #tpu.memory_space<hbm>> -> memref<112xi32, #tpu.memory_space<hbm>>
      tpu.enqueue_dma source(%dma_start3A_194 : memref<112xi32, #tpu.memory_space<hbm>>) target(%arg12 : memref<112xi32, #tpu.memory_space<vmem>>) target_semaphore(%arg24 : memref<!tpu.dma_semaphore, #tpu.memory_space<semaphore_mem>>)
      %dma_wait3A_195 = arith.constant 0 : i32
      %dma_wait3A_196 = arith.constant 0 : i32
      %dma_wait3A_197 = tpu.memref_slice %arg2[%dma_wait3A_195, %dma_wait3A_196] : memref<10008x128xf32, #tpu.memory_space<hbm>> -> memref<10008x128xf32, #tpu.memory_space<hbm>>
      tpu.wait_indirect_dma semaphore(%arg16 : memref<!tpu.dma_semaphore, #tpu.memory_space<semaphore_mem>>) src(%dma_wait3A_197 : memref<10008x128xf32, #tpu.memory_space<hbm>>) dst(%arg13 : memref<112x128xf32, #tpu.memory_space<vmem>>)
      %dma_wait3A_198 = arith.constant 0 : i32
      %dma_wait3A_199 = tpu.memref_slice %arg4[%dma_wait3A_198] : memref<329728xi32, #tpu.memory_space<hbm>> -> memref<112xi32, #tpu.memory_space<hbm>>
      %dma_wait3A_200 = arith.constant 0 : i32
      %dma_wait3A_201 = tpu.memref_slice %arg4[%dma_wait3A_200] : memref<329728xi32, #tpu.memory_space<hbm>> -> memref<112xi32, #tpu.memory_space<hbm>>
      tpu.wait_dma2 semaphore(%arg22 : memref<!tpu.dma_semaphore, #tpu.memory_space<semaphore_mem>>) src(%dma_wait3A_201 : memref<112xi32, #tpu.memory_space<hbm>>) dst(%arg10 : memref<112xi32, #tpu.memory_space<vmem>>)
      %dma_start3A_202 = arith.constant 0 : i32
      %dma_start3A_203 = arith.constant 0 : i32
      %dma_start3A_204 = tpu.memref_slice %arg6[%dma_start3A_202, %dma_start3A_203] : memref<10000x128xf32, #tpu.memory_space<vmem_shared>> -> memref<10000x128xf32, #tpu.memory_space<vmem_shared>>
      tpu.enqueue_indirect_dma source(%arg13 : memref<112x128xf32, #tpu.memory_space<vmem>>) target(%dma_start3A_204 : memref<10000x128xf32, #tpu.memory_space<vmem_shared>>) offsets(%arg10 : memref<112xi32, #tpu.memory_space<vmem>>) semaphore(%arg25 : memref<!tpu.dma_semaphore, #tpu.memory_space<semaphore_mem>>) {add = true}
      %dma_wait3A_205 = arith.constant 0 : i32
      %dma_wait3A_206 = tpu.memref_slice %arg3[%dma_wait3A_205] : memref<329728xi32, #tpu.memory_space<hbm>> -> memref<112xi32, #tpu.memory_space<hbm>>
      %dma_wait3A_207 = arith.constant 0 : i32
      %dma_wait3A_208 = tpu.memref_slice %arg3[%dma_wait3A_207] : memref<329728xi32, #tpu.memory_space<hbm>> -> memref<112xi32, #tpu.memory_space<hbm>>
      tpu.wait_dma2 semaphore(%arg21 : memref<!tpu.dma_semaphore, #tpu.memory_space<semaphore_mem>>) src(%dma_wait3A_208 : memref<112xi32, #tpu.memory_space<hbm>>) dst(%arg9 : memref<112xi32, #tpu.memory_space<vmem>>)
      %dma_start3A_209 = arith.constant 0 : i32
      %dma_start3A_210 = arith.constant 0 : i32
      %dma_start3A_211 = tpu.memref_slice %arg2[%dma_start3A_209, %dma_start3A_210] : memref<10008x128xf32, #tpu.memory_space<hbm>> -> memref<10008x128xf32, #tpu.memory_space<hbm>>
      tpu.enqueue_indirect_dma source(%dma_start3A_211 : memref<10008x128xf32, #tpu.memory_space<hbm>>) target(%arg15 : memref<112x128xf32, #tpu.memory_space<vmem>>) offsets(%arg9 : memref<112xi32, #tpu.memory_space<vmem>>) semaphore(%arg18 : memref<!tpu.dma_semaphore, #tpu.memory_space<semaphore_mem>>)
      %mul3A_212 = arith.constant 3 : i32
      %mul3A_213 = arith.muli %scan3A_171, %mul3A_212 : i32
      %add3A_214 = arith.constant 3 : i32
      %add3A_215 = arith.addi %add3A_214, %mul3A_213 : i32
      %add3A_216 = arith.constant 1 : i32
      %add3A_217 = arith.addi %add3A_215, %add3A_216 : i32
      %dma_wait3A_218 = arith.constant 0 : i32
      %dma_wait3A_219 = arith.constant 0 : i32
      %dma_wait3A_220 = tpu.memref_slice %arg6[%dma_wait3A_218, %dma_wait3A_219] : memref<10000x128xf32, #tpu.memory_space<vmem_shared>> -> memref<10000x128xf32, #tpu.memory_space<vmem_shared>>
      tpu.wait_indirect_dma semaphore(%arg25 : memref<!tpu.dma_semaphore, #tpu.memory_space<semaphore_mem>>) src(%arg13 : memref<112x128xf32, #tpu.memory_space<vmem>>) dst(%dma_wait3A_220 : memref<10000x128xf32, #tpu.memory_space<vmem_shared>>)
      %add3A_221 = arith.constant 2 : i32
      %add3A_222 = arith.addi %add3A_217, %add3A_221 : i32
      %mul3A_223 = arith.constant 112 : i32
      %mul3A_224 = arith.muli %add3A_222, %mul3A_223 : i32
      %add3A_225 = arith.addi %mul3A_2, %mul3A_224 : i32
      %dma_start3A_226 = tpu.memref_slice %arg3[%add3A_225] : memref<329728xi32, #tpu.memory_space<hbm>> -> memref<112xi32, #tpu.memory_space<hbm>>
      %dma_start3A_227 = tpu.memref_slice %arg3[%add3A_225] : memref<329728xi32, #tpu.memory_space<hbm>> -> memref<112xi32, #tpu.memory_space<hbm>>
      tpu.enqueue_dma source(%dma_start3A_227 : memref<112xi32, #tpu.memory_space<hbm>>) target(%arg7 : memref<112xi32, #tpu.memory_space<vmem>>) target_semaphore(%arg19 : memref<!tpu.dma_semaphore, #tpu.memory_space<semaphore_mem>>)
      %add3A_228 = arith.constant 2 : i32
      %add3A_229 = arith.addi %add3A_217, %add3A_228 : i32
      %mul3A_230 = arith.constant 112 : i32
      %mul3A_231 = arith.muli %add3A_229, %mul3A_230 : i32
      %add3A_232 = arith.addi %mul3A_2, %mul3A_231 : i32
      %dma_start3A_233 = tpu.memref_slice %arg4[%add3A_232] : memref<329728xi32, #tpu.memory_space<hbm>> -> memref<112xi32, #tpu.memory_space<hbm>>
      %dma_start3A_234 = tpu.memref_slice %arg4[%add3A_232] : memref<329728xi32, #tpu.memory_space<hbm>> -> memref<112xi32, #tpu.memory_space<hbm>>
      tpu.enqueue_dma source(%dma_start3A_234 : memref<112xi32, #tpu.memory_space<hbm>>) target(%arg10 : memref<112xi32, #tpu.memory_space<vmem>>) target_semaphore(%arg22 : memref<!tpu.dma_semaphore, #tpu.memory_space<semaphore_mem>>)
      %dma_wait3A_235 = arith.constant 0 : i32
      %dma_wait3A_236 = arith.constant 0 : i32
      %dma_wait3A_237 = tpu.memref_slice %arg2[%dma_wait3A_235, %dma_wait3A_236] : memref<10008x128xf32, #tpu.memory_space<hbm>> -> memref<10008x128xf32, #tpu.memory_space<hbm>>
      tpu.wait_indirect_dma semaphore(%arg17 : memref<!tpu.dma_semaphore, #tpu.memory_space<semaphore_mem>>) src(%dma_wait3A_237 : memref<10008x128xf32, #tpu.memory_space<hbm>>) dst(%arg14 : memref<112x128xf32, #tpu.memory_space<vmem>>)
      %dma_wait3A_238 = arith.constant 0 : i32
      %dma_wait3A_239 = tpu.memref_slice %arg4[%dma_wait3A_238] : memref<329728xi32, #tpu.memory_space<hbm>> -> memref<112xi32, #tpu.memory_space<hbm>>
      %dma_wait3A_240 = arith.constant 0 : i32
      %dma_wait3A_241 = tpu.memref_slice %arg4[%dma_wait3A_240] : memref<329728xi32, #tpu.memory_space<hbm>> -> memref<112xi32, #tpu.memory_space<hbm>>
      tpu.wait_dma2 semaphore(%arg23 : memref<!tpu.dma_semaphore, #tpu.memory_space<semaphore_mem>>) src(%dma_wait3A_241 : memref<112xi32, #tpu.memory_space<hbm>>) dst(%arg11 : memref<112xi32, #tpu.memory_space<vmem>>)
      %dma_start3A_242 = arith.constant 0 : i32
      %dma_start3A_243 = arith.constant 0 : i32
      %dma_start3A_244 = tpu.memref_slice %arg6[%dma_start3A_242, %dma_start3A_243] : memref<10000x128xf32, #tpu.memory_space<vmem_shared>> -> memref<10000x128xf32, #tpu.memory_space<vmem_shared>>
      tpu.enqueue_indirect_dma source(%arg14 : memref<112x128xf32, #tpu.memory_space<vmem>>) target(%dma_start3A_244 : memref<10000x128xf32, #tpu.memory_space<vmem_shared>>) offsets(%arg11 : memref<112xi32, #tpu.memory_space<vmem>>) semaphore(%arg26 : memref<!tpu.dma_semaphore, #tpu.memory_space<semaphore_mem>>) {add = true}
      %dma_wait3A_245 = arith.constant 0 : i32
      %dma_wait3A_246 = tpu.memref_slice %arg3[%dma_wait3A_245] : memref<329728xi32, #tpu.memory_space<hbm>> -> memref<112xi32, #tpu.memory_space<hbm>>
      %dma_wait3A_247 = arith.constant 0 : i32
      %dma_wait3A_248 = tpu.memref_slice %arg3[%dma_wait3A_247] : memref<329728xi32, #tpu.memory_space<hbm>> -> memref<112xi32, #tpu.memory_space<hbm>>
      tpu.wait_dma2 semaphore(%arg19 : memref<!tpu.dma_semaphore, #tpu.memory_space<semaphore_mem>>) src(%dma_wait3A_248 : memref<112xi32, #tpu.memory_space<hbm>>) dst(%arg7 : memref<112xi32, #tpu.memory_space<vmem>>)
      %dma_start3A_249 = arith.constant 0 : i32
      %dma_start3A_250 = arith.constant 0 : i32
      %dma_start3A_251 = tpu.memref_slice %arg2[%dma_start3A_249, %dma_start3A_250] : memref<10008x128xf32, #tpu.memory_space<hbm>> -> memref<10008x128xf32, #tpu.memory_space<hbm>>
      tpu.enqueue_indirect_dma source(%dma_start3A_251 : memref<10008x128xf32, #tpu.memory_space<hbm>>) target(%arg13 : memref<112x128xf32, #tpu.memory_space<vmem>>) offsets(%arg7 : memref<112xi32, #tpu.memory_space<vmem>>) semaphore(%arg16 : memref<!tpu.dma_semaphore, #tpu.memory_space<semaphore_mem>>)
      %mul3A_252 = arith.constant 3 : i32
      %mul3A_253 = arith.muli %scan3A_171, %mul3A_252 : i32
      %add3A_254 = arith.constant 3 : i32
      %add3A_255 = arith.addi %add3A_254, %mul3A_253 : i32
      %add3A_256 = arith.constant 2 : i32
      %add3A_257 = arith.addi %add3A_255, %add3A_256 : i32
      %dma_wait3A_258 = arith.constant 0 : i32
      %dma_wait3A_259 = arith.constant 0 : i32
      %dma_wait3A_260 = tpu.memref_slice %arg6[%dma_wait3A_258, %dma_wait3A_259] : memref<10000x128xf32, #tpu.memory_space<vmem_shared>> -> memref<10000x128xf32, #tpu.memory_space<vmem_shared>>
      tpu.wait_indirect_dma semaphore(%arg26 : memref<!tpu.dma_semaphore, #tpu.memory_space<semaphore_mem>>) src(%arg14 : memref<112x128xf32, #tpu.memory_space<vmem>>) dst(%dma_wait3A_260 : memref<10000x128xf32, #tpu.memory_space<vmem_shared>>)
      %add3A_261 = arith.constant 2 : i32
      %add3A_262 = arith.addi %add3A_257, %add3A_261 : i32
      %mul3A_263 = arith.constant 112 : i32
      %mul3A_264 = arith.muli %add3A_262, %mul3A_263 : i32
      %add3A_265 = arith.addi %mul3A_2, %mul3A_264 : i32
      %dma_start3A_266 = tpu.memref_slice %arg3[%add3A_265] : memref<329728xi32, #tpu.memory_space<hbm>> -> memref<112xi32, #tpu.memory_space<hbm>>
      %dma_start3A_267 = tpu.memref_slice %arg3[%add3A_265] : memref<329728xi32, #tpu.memory_space<hbm>> -> memref<112xi32, #tpu.memory_space<hbm>>
      tpu.enqueue_dma source(%dma_start3A_267 : memref<112xi32, #tpu.memory_space<hbm>>) target(%arg8 : memref<112xi32, #tpu.memory_space<vmem>>) target_semaphore(%arg20 : memref<!tpu.dma_semaphore, #tpu.memory_space<semaphore_mem>>)
      %add3A_268 = arith.constant 2 : i32
      %add3A_269 = arith.addi %add3A_257, %add3A_268 : i32
      %mul3A_270 = arith.constant 112 : i32
      %mul3A_271 = arith.muli %add3A_269, %mul3A_270 : i32
      %add3A_272 = arith.addi %mul3A_2, %mul3A_271 : i32
      %dma_start3A_273 = tpu.memref_slice %arg4[%add3A_272] : memref<329728xi32, #tpu.memory_space<hbm>> -> memref<112xi32, #tpu.memory_space<hbm>>
      %dma_start3A_274 = tpu.memref_slice %arg4[%add3A_272] : memref<329728xi32, #tpu.memory_space<hbm>> -> memref<112xi32, #tpu.memory_space<hbm>>
      tpu.enqueue_dma source(%dma_start3A_274 : memref<112xi32, #tpu.memory_space<hbm>>) target(%arg11 : memref<112xi32, #tpu.memory_space<vmem>>) target_semaphore(%arg23 : memref<!tpu.dma_semaphore, #tpu.memory_space<semaphore_mem>>)
      %dma_wait3A_275 = arith.constant 0 : i32
      %dma_wait3A_276 = arith.constant 0 : i32
      %dma_wait3A_277 = tpu.memref_slice %arg2[%dma_wait3A_275, %dma_wait3A_276] : memref<10008x128xf32, #tpu.memory_space<hbm>> -> memref<10008x128xf32, #tpu.memory_space<hbm>>
      tpu.wait_indirect_dma semaphore(%arg18 : memref<!tpu.dma_semaphore, #tpu.memory_space<semaphore_mem>>) src(%dma_wait3A_277 : memref<10008x128xf32, #tpu.memory_space<hbm>>) dst(%arg15 : memref<112x128xf32, #tpu.memory_space<vmem>>)
      %dma_wait3A_278 = arith.constant 0 : i32
      %dma_wait3A_279 = tpu.memref_slice %arg4[%dma_wait3A_278] : memref<329728xi32, #tpu.memory_space<hbm>> -> memref<112xi32, #tpu.memory_space<hbm>>
      %dma_wait3A_280 = arith.constant 0 : i32
      %dma_wait3A_281 = tpu.memref_slice %arg4[%dma_wait3A_280] : memref<329728xi32, #tpu.memory_space<hbm>> -> memref<112xi32, #tpu.memory_space<hbm>>
      tpu.wait_dma2 semaphore(%arg24 : memref<!tpu.dma_semaphore, #tpu.memory_space<semaphore_mem>>) src(%dma_wait3A_281 : memref<112xi32, #tpu.memory_space<hbm>>) dst(%arg12 : memref<112xi32, #tpu.memory_space<vmem>>)
      %dma_start3A_282 = arith.constant 0 : i32
      %dma_start3A_283 = arith.constant 0 : i32
      %dma_start3A_284 = tpu.memref_slice %arg6[%dma_start3A_282, %dma_start3A_283] : memref<10000x128xf32, #tpu.memory_space<vmem_shared>> -> memref<10000x128xf32, #tpu.memory_space<vmem_shared>>
      tpu.enqueue_indirect_dma source(%arg15 : memref<112x128xf32, #tpu.memory_space<vmem>>) target(%dma_start3A_284 : memref<10000x128xf32, #tpu.memory_space<vmem_shared>>) offsets(%arg12 : memref<112xi32, #tpu.memory_space<vmem>>) semaphore(%arg27 : memref<!tpu.dma_semaphore, #tpu.memory_space<semaphore_mem>>) {add = true}
      %dma_wait3A_285 = arith.constant 0 : i32
      %dma_wait3A_286 = tpu.memref_slice %arg3[%dma_wait3A_285] : memref<329728xi32, #tpu.memory_space<hbm>> -> memref<112xi32, #tpu.memory_space<hbm>>
      %dma_wait3A_287 = arith.constant 0 : i32
      %dma_wait3A_288 = tpu.memref_slice %arg3[%dma_wait3A_287] : memref<329728xi32, #tpu.memory_space<hbm>> -> memref<112xi32, #tpu.memory_space<hbm>>
      tpu.wait_dma2 semaphore(%arg20 : memref<!tpu.dma_semaphore, #tpu.memory_space<semaphore_mem>>) src(%dma_wait3A_288 : memref<112xi32, #tpu.memory_space<hbm>>) dst(%arg8 : memref<112xi32, #tpu.memory_space<vmem>>)
      %dma_start3A_289 = arith.constant 0 : i32
      %dma_start3A_290 = arith.constant 0 : i32
      %dma_start3A_291 = tpu.memref_slice %arg2[%dma_start3A_289, %dma_start3A_290] : memref<10008x128xf32, #tpu.memory_space<hbm>> -> memref<10008x128xf32, #tpu.memory_space<hbm>>
      tpu.enqueue_indirect_dma source(%dma_start3A_291 : memref<10008x128xf32, #tpu.memory_space<hbm>>) target(%arg14 : memref<112x128xf32, #tpu.memory_space<vmem>>) offsets(%arg8 : memref<112xi32, #tpu.memory_space<vmem>>) semaphore(%arg17 : memref<!tpu.dma_semaphore, #tpu.memory_space<semaphore_mem>>)
    }
    %scan3A_130 = arith.constant 29 : i32
    %dma_wait3A_131 = arith.constant 0 : i32
    %dma_wait3A_132 = arith.constant 0 : i32
    %dma_wait3A_133 = tpu.memref_slice %arg6[%dma_wait3A_131, %dma_wait3A_132] : memref<10000x128xf32, #tpu.memory_space<vmem_shared>> -> memref<10000x128xf32, #tpu.memory_space<vmem_shared>>
    tpu.wait_indirect_dma semaphore(%arg27 : memref<!tpu.dma_semaphore, #tpu.memory_space<semaphore_mem>>) src(%arg15 : memref<112x128xf32, #tpu.memory_space<vmem>>) dst(%dma_wait3A_133 : memref<10000x128xf32, #tpu.memory_space<vmem_shared>>)
    %dma_wait3A_134 = arith.constant 0 : i32
    %dma_wait3A_135 = arith.constant 0 : i32
    %dma_wait3A_136 = tpu.memref_slice %arg2[%dma_wait3A_134, %dma_wait3A_135] : memref<10008x128xf32, #tpu.memory_space<hbm>> -> memref<10008x128xf32, #tpu.memory_space<hbm>>
    tpu.wait_indirect_dma semaphore(%arg16 : memref<!tpu.dma_semaphore, #tpu.memory_space<semaphore_mem>>) src(%dma_wait3A_136 : memref<10008x128xf32, #tpu.memory_space<hbm>>) dst(%arg13 : memref<112x128xf32, #tpu.memory_space<vmem>>)
    %dma_wait3A_137 = arith.constant 0 : i32
    %dma_wait3A_138 = tpu.memref_slice %arg4[%dma_wait3A_137] : memref<329728xi32, #tpu.memory_space<hbm>> -> memref<112xi32, #tpu.memory_space<hbm>>
    %dma_wait3A_139 = arith.constant 0 : i32
    %dma_wait3A_140 = tpu.memref_slice %arg4[%dma_wait3A_139] : memref<329728xi32, #tpu.memory_space<hbm>> -> memref<112xi32, #tpu.memory_space<hbm>>
    tpu.wait_dma2 semaphore(%arg22 : memref<!tpu.dma_semaphore, #tpu.memory_space<semaphore_mem>>) src(%dma_wait3A_140 : memref<112xi32, #tpu.memory_space<hbm>>) dst(%arg10 : memref<112xi32, #tpu.memory_space<vmem>>)
    %dma_start3A_141 = arith.constant 0 : i32
    %dma_start3A_142 = arith.constant 0 : i32
    %dma_start3A_143 = tpu.memref_slice %arg6[%dma_start3A_141, %dma_start3A_142] : memref<10000x128xf32, #tpu.memory_space<vmem_shared>> -> memref<10000x128xf32, #tpu.memory_space<vmem_shared>>
    tpu.enqueue_indirect_dma source(%arg13 : memref<112x128xf32, #tpu.memory_space<vmem>>) target(%dma_start3A_143 : memref<10000x128xf32, #tpu.memory_space<vmem_shared>>) offsets(%arg10 : memref<112xi32, #tpu.memory_space<vmem>>) semaphore(%arg25 : memref<!tpu.dma_semaphore, #tpu.memory_space<semaphore_mem>>) {add = true}
    %dma_wait3A_144 = arith.constant 0 : i32
    %dma_wait3A_145 = arith.constant 0 : i32
    %dma_wait3A_146 = tpu.memref_slice %arg6[%dma_wait3A_144, %dma_wait3A_145] : memref<10000x128xf32, #tpu.memory_space<vmem_shared>> -> memref<10000x128xf32, #tpu.memory_space<vmem_shared>>
    tpu.wait_indirect_dma semaphore(%arg25 : memref<!tpu.dma_semaphore, #tpu.memory_space<semaphore_mem>>) src(%arg13 : memref<112x128xf32, #tpu.memory_space<vmem>>) dst(%dma_wait3A_146 : memref<10000x128xf32, #tpu.memory_space<vmem_shared>>)
    %dma_wait3A_147 = arith.constant 0 : i32
    %dma_wait3A_148 = arith.constant 0 : i32
    %dma_wait3A_149 = tpu.memref_slice %arg2[%dma_wait3A_147, %dma_wait3A_148] : memref<10008x128xf32, #tpu.memory_space<hbm>> -> memref<10008x128xf32, #tpu.memory_space<hbm>>
    tpu.wait_indirect_dma semaphore(%arg17 : memref<!tpu.dma_semaphore, #tpu.memory_space<semaphore_mem>>) src(%dma_wait3A_149 : memref<10008x128xf32, #tpu.memory_space<hbm>>) dst(%arg14 : memref<112x128xf32, #tpu.memory_space<vmem>>)
    %dma_wait3A_150 = arith.constant 0 : i32
    %dma_wait3A_151 = tpu.memref_slice %arg4[%dma_wait3A_150] : memref<329728xi32, #tpu.memory_space<hbm>> -> memref<112xi32, #tpu.memory_space<hbm>>
    %dma_wait3A_152 = arith.constant 0 : i32
    %dma_wait3A_153 = tpu.memref_slice %arg4[%dma_wait3A_152] : memref<329728xi32, #tpu.memory_space<hbm>> -> memref<112xi32, #tpu.memory_space<hbm>>
    tpu.wait_dma2 semaphore(%arg23 : memref<!tpu.dma_semaphore, #tpu.memory_space<semaphore_mem>>) src(%dma_wait3A_153 : memref<112xi32, #tpu.memory_space<hbm>>) dst(%arg11 : memref<112xi32, #tpu.memory_space<vmem>>)
    %dma_start3A_154 = arith.constant 0 : i32
    %dma_start3A_155 = arith.constant 0 : i32
    %dma_start3A_156 = tpu.memref_slice %arg6[%dma_start3A_154, %dma_start3A_155] : memref<10000x128xf32, #tpu.memory_space<vmem_shared>> -> memref<10000x128xf32, #tpu.memory_space<vmem_shared>>
    tpu.enqueue_indirect_dma source(%arg14 : memref<112x128xf32, #tpu.memory_space<vmem>>) target(%dma_start3A_156 : memref<10000x128xf32, #tpu.memory_space<vmem_shared>>) offsets(%arg11 : memref<112xi32, #tpu.memory_space<vmem>>) semaphore(%arg26 : memref<!tpu.dma_semaphore, #tpu.memory_space<semaphore_mem>>) {add = true}
    %dma_wait3A_157 = arith.constant 0 : i32
    %dma_wait3A_158 = arith.constant 0 : i32
    %dma_wait3A_159 = tpu.memref_slice %arg6[%dma_wait3A_157, %dma_wait3A_158] : memref<10000x128xf32, #tpu.memory_space<vmem_shared>> -> memref<10000x128xf32, #tpu.memory_space<vmem_shared>>
    tpu.wait_indirect_dma semaphore(%arg26 : memref<!tpu.dma_semaphore, #tpu.memory_space<semaphore_mem>>) src(%arg14 : memref<112x128xf32, #tpu.memory_space<vmem>>) dst(%dma_wait3A_159 : memref<10000x128xf32, #tpu.memory_space<vmem_shared>>)
    %barrier3A_160 = arith.constant 0 : index
    tpu.barrier barrier_id(%barrier3A_160)
    %lt3A_161 = arith.constant 15 : i32
    %lt3A_162 = arith.cmpi slt, %arg1, %lt3A_161 : i32
    %convert_element_type3A_163 = arith.extui %lt3A_162 : i1 to i32
    %cond3A_164 = arith.constant 0 : i32
    %cond3A_165 = arith.cmpi ne, %convert_element_type3A_163, %cond3A_164 : i32
    scf.if %cond3A_165 {
      "tpu.region"() ({
        %run_scoped3A = tpu.sem_alloc : memref<!tpu.dma_semaphore, #tpu.memory_space<semaphore_mem>>
        %dma_start3A_171 = arith.constant 0 : i32
        %dma_start3A_172 = tpu.memref_slice %arg5[%arg0, %mul3A_4, %dma_start3A_171] : memref<2x10000x128xf32, #tpu.memory_space<hbm>> -> memref<1x632x128xf32, #tpu.memory_space<hbm>>
        %dma_start3A_173 = tpu.memref_squeeze %dma_start3A_172 : memref<1x632x128xf32, #tpu.memory_space<hbm>> -> memref<632x128xf32, #tpu.memory_space<hbm>>
        %dma_start3A_174 = arith.constant 0 : i32
        %dma_start3A_175 = tpu.memref_slice %arg6[%mul3A_4, %dma_start3A_174] : memref<10000x128xf32, #tpu.memory_space<vmem_shared>> -> memref<632x128xf32, #tpu.memory_space<vmem_shared>>
        tpu.enqueue_dma source(%dma_start3A_175 : memref<632x128xf32, #tpu.memory_space<vmem_shared>>) target(%dma_start3A_173 : memref<632x128xf32, #tpu.memory_space<hbm>>) target_semaphore(%run_scoped3A : memref<!tpu.dma_semaphore, #tpu.memory_space<semaphore_mem>>)
        %dma_wait3A_176 = arith.constant 0 : i32
        %dma_wait3A_177 = tpu.memref_slice %arg5[%arg0, %mul3A_4, %dma_wait3A_176] : memref<2x10000x128xf32, #tpu.memory_space<hbm>> -> memref<1x632x128xf32, #tpu.memory_space<hbm>>
        %dma_wait3A_178 = tpu.memref_squeeze %dma_wait3A_177 : memref<1x632x128xf32, #tpu.memory_space<hbm>> -> memref<632x128xf32, #tpu.memory_space<hbm>>
        %dma_wait3A_179 = arith.constant 0 : i32
        %dma_wait3A_180 = tpu.memref_slice %arg6[%mul3A_4, %dma_wait3A_179] : memref<10000x128xf32, #tpu.memory_space<vmem_shared>> -> memref<632x128xf32, #tpu.memory_space<vmem_shared>>
        tpu.wait_dma2 semaphore(%run_scoped3A : memref<!tpu.dma_semaphore, #tpu.memory_space<semaphore_mem>>) src(%dma_wait3A_180 : memref<632x128xf32, #tpu.memory_space<vmem_shared>>) dst(%dma_wait3A_178 : memref<632x128xf32, #tpu.memory_space<hbm>>)
        tpu.yield
      }) : () -> ()
    } else {
    }
    %eq3A_166 = arith.constant 15 : i32
    %eq3A_167 = arith.cmpi eq, %arg1, %eq3A_166 : i32
    %convert_element_type3A_168 = arith.extui %eq3A_167 : i1 to i32
    %cond3A_169 = arith.constant 0 : i32
    %cond3A_170 = arith.cmpi ne, %convert_element_type3A_168, %cond3A_169 : i32
    scf.if %cond3A_170 {
      "tpu.region"() ({
        %run_scoped3A = tpu.sem_alloc : memref<!tpu.dma_semaphore, #tpu.memory_space<semaphore_mem>>
        %dma_start3A_171 = arith.constant 0 : i32
        %dma_start3A_172 = tpu.memref_slice %arg5[%arg0, %mul3A_4, %dma_start3A_171] : memref<2x10000x128xf32, #tpu.memory_space<hbm>> -> memref<1x520x128xf32, #tpu.memory_space<hbm>>
        %dma_start3A_173 = tpu.memref_squeeze %dma_start3A_172 : memref<1x520x128xf32, #tpu.memory_space<hbm>> -> memref<520x128xf32, #tpu.memory_space<hbm>>
        %dma_start3A_174 = arith.constant 0 : i32
        %dma_start3A_175 = tpu.memref_slice %arg6[%mul3A_4, %dma_start3A_174] : memref<10000x128xf32, #tpu.memory_space<vmem_shared>> -> memref<520x128xf32, #tpu.memory_space<vmem_shared>>
        tpu.enqueue_dma source(%dma_start3A_175 : memref<520x128xf32, #tpu.memory_space<vmem_shared>>) target(%dma_start3A_173 : memref<520x128xf32, #tpu.memory_space<hbm>>) target_semaphore(%run_scoped3A : memref<!tpu.dma_semaphore, #tpu.memory_space<semaphore_mem>>)
        %dma_wait3A_176 = arith.constant 0 : i32
        %dma_wait3A_177 = tpu.memref_slice %arg5[%arg0, %mul3A_4, %dma_wait3A_176] : memref<2x10000x128xf32, #tpu.memory_space<hbm>> -> memref<1x520x128xf32, #tpu.memory_space<hbm>>
        %dma_wait3A_178 = tpu.memref_squeeze %dma_wait3A_177 : memref<1x520x128xf32, #tpu.memory_space<hbm>> -> memref<520x128xf32, #tpu.memory_space<hbm>>
        %dma_wait3A_179 = arith.constant 0 : i32
        %dma_wait3A_180 = tpu.memref_slice %arg6[%mul3A_4, %dma_wait3A_179] : memref<10000x128xf32, #tpu.memory_space<vmem_shared>> -> memref<520x128xf32, #tpu.memory_space<vmem_shared>>
        tpu.wait_dma2 semaphore(%run_scoped3A : memref<!tpu.dma_semaphore, #tpu.memory_space<semaphore_mem>>) src(%dma_wait3A_180 : memref<520x128xf32, #tpu.memory_space<vmem_shared>>) dst(%dma_wait3A_178 : memref<520x128xf32, #tpu.memory_space<hbm>>)
        tpu.yield
      }) : () -> ()
    } else {
    }
    return
  }
}

module attributes {stable_mosaic.version = 14 : i64} {
  func.func @body(%arg0: i32, %arg1: memref<1000x128xf32, #tpu.memory_space<vmem>>, %arg2: memref<1x1000x128xf32, #tpu.memory_space<vmem>>, %arg3: memref<1x1000x128xf32, #tpu.memory_space<vmem>>, %arg4: memref<1000x128xf32, #tpu.memory_space<vmem>>) attributes {dimension_semantics = [#tpu.dimension_semantics<arbitrary>], iteration_bounds = array<i64: 10>, scalar_prefetch = 0 : i64, scratch_operands = 0 : i64, tpu.core_type = #tpu.core_type<tc>, window_params = [{transform_indices = @transform_0, window_bounds = array<i64: 1000, 128>}, {transform_indices = @transform_1, window_bounds = array<i64: 1, 1000, 128>}, {transform_indices = @transform_2, window_bounds = array<i64: 1, 1000, 128>}, {transform_indices = @transform_3, window_bounds = array<i64: 1000, 128>}]} {
    %get3A = arith.constant 0 : index
    %get3A_0 = arith.constant 0 : index
    %get3A_1 = vector.load %arg1[%get3A, %get3A_0] : memref<1000x128xf32, #tpu.memory_space<vmem>>, vector<1000x128xf32>
    %get3A_2 = arith.constant 0 : index
    %get3A_3 = arith.constant 0 : index
    %get3A_4 = arith.constant 0 : index
    %get3A_5 = vector.load %arg2[%get3A_2, %get3A_3, %get3A_4] : memref<1x1000x128xf32, #tpu.memory_space<vmem>>, vector<1x1000x128xf32>
    %get3A_6 = vector.shape_cast %get3A_5 : vector<1x1000x128xf32> to vector<1000x128xf32>
    %add3A = arith.addf %get3A_1, %get3A_6 : vector<1000x128xf32>
    %get3A_7 = arith.constant 0 : index
    %get3A_8 = arith.constant 0 : index
    %get3A_9 = arith.constant 0 : index
    %get3A_10 = vector.load %arg3[%get3A_7, %get3A_8, %get3A_9] : memref<1x1000x128xf32, #tpu.memory_space<vmem>>, vector<1x1000x128xf32>
    %get3A_11 = vector.shape_cast %get3A_10 : vector<1x1000x128xf32> to vector<1000x128xf32>
    %add3A_12 = arith.addf %add3A, %get3A_11 : vector<1000x128xf32>
    %swap3A = arith.constant 0 : index
    %swap3A_13 = arith.constant 0 : index
    %swap3A_14 = vector.load %arg4[%swap3A, %swap3A_13] : memref<1000x128xf32, #tpu.memory_space<vmem>>, vector<1000x128xf32>
    tpu.vector_store %arg4[%swap3A, %swap3A_13], %add3A_12 {strides = array<i32>} : memref<1000x128xf32, #tpu.memory_space<vmem>>, vector<1000x128xf32>,
    return
  }
  func.func @transform_0(%arg0: i32) -> (i32, i32) {
    %c0_i32 = arith.constant 0 : i32
    %c0_i32_0 = arith.constant 0 : i32
    return %arg0, %c0_i32 : i32, i32
  }
  func.func @transform_1(%arg0: i32) -> (i32, i32, i32) {
    %c0_i32 = arith.constant 0 : i32
    %c0_i32_0 = arith.constant 0 : i32
    %c0_i32_1 = arith.constant 0 : i32
    return %c0_i32, %arg0, %c0_i32_0 : i32, i32, i32
  }
  func.func @transform_2(%arg0: i32) -> (i32, i32, i32) {
    %c1_i32 = arith.constant 1 : i32
    %c0_i32 = arith.constant 0 : i32
    %c0_i32_0 = arith.constant 0 : i32
    return %c1_i32, %arg0, %c0_i32 : i32, i32, i32
  }
  func.func @transform_3(%arg0: i32) -> (i32, i32) {
    %c0_i32 = arith.constant 0 : i32
    %c0_i32_0 = arith.constant 0 : i32
    return %arg0, %c0_i32 : i32, i32
  }
}

</mosaic_0001>

<sc_bundles>
// kernel: kernel.4.cloned.1.call-start
scs
__scs_entry_jumppad:
0x0: {  	(pc) =	sbr.rel $0x88, $3  }
0x1: {  	(tag) =	ssettag $0x0;
	lr =	simm.s32 $0x1  }
0x2: {  	[smem:$0x3F9F] =	sst lr;
	_ =	strace $0xD0000000  }
0x3: {  	_ = 	snop  }
0x4: {  	_ = 	snop  }
0x5: {  	_ = 	snop  }
0x6: {  	_ = 	snop  }
0x7: {  	_ = 	snop  }
__scs_overlays_trampoline_lowered:
0x8: {  	[smem:$0x3FAE] =	sst s0  }
0x9: {  	[smem:$0x3FAF] =	sst s1  }
0xa: {  	[smem:$0x3FB0] =	sst s2  }
0xb: {  	[smem:$0x3FB1] =	sst s3  }
0xc: {  	[smem:$0x3FB2] =	sst s4  }
0xd: {  	[smem:$0x3FB3] =	sst s5  }
0xe: {  	[smem:$0x3FB4] =	sst s6  }
0xf: {  	[smem:$0x3FB5] =	sst s7  }
0x10: {  	[smem:$0x3FB6] =	sst s8  }
0x11: {  	[smem:$0x3FB7] =	sst s9;
	s0 =	simm.s32 @!p0 $0x0  }
0x12: {  	s1 =	sld [smem:$0x3F9D];
	s0 =	simm.s32 @p0 $0x1  }
0x13: {  	[smem:$0x3FB8] =	sst s0;
	s0 =	simm.s32 @!p1 $0x0  }
0x14: {  	s2 =	sld [smem:$0x3F9C];
	s0 =	simm.s32 @p1 $0x1  }
0x15: {  	[smem:$0x3FB9] =	sst s0;
	s0 =	simm.s32 @!p2 $0x0  }
0x16: {  	s3 =	sld [smem:$0x3FDB];
	s0 =	simm.s32 @p2 $0x1  }
0x17: {  	s4 =	simm.s32 $0x1BF5;
	[smem:$0x3FBB] =	sst s0  }
0x18: {  	s0 =	sld [smem:$0x3F9E];
	_ =	swait.ge [sflag:s4], $0x0  }
0x19: {  	s7 =	sld [smem:$0x3F9F]  }
0x1a: {  	s8 =	sadd.s32 $0xFFFFE003, lr  }
0x1b: {  	s9 =	sadd.s32 $0xFFFFFEF7, lr;
	s5 =	simm.s32 $0xFFFFFFFF;
	p2 =	slt.u32 s8, $0xFFFFF086  }
0x1c: {  	p1 =	slt.u32 s9, $0xF7A;
	s5 =	simm.s32 @!p2 $0x0  }
0x1d: {  	s5 =	simm.s32 @p1 $0x1;
	p0 =	seq.s32 s7, s2  }
0x1e: {  	s7 =	smul.u32 @!p0 $0xF7A, s2;
	p2 =	seq.s32 @!p0 s5, $0x0  }
0x1f: {  	s9 =	smul.u32 $0xF7A, s1;
	s8 =	simm.s32 @!p0 $0x1BF5;
	p2 =	por !p2, p0  }
0x20: {  	[sflag:s8] =	ssyncset.s32 @!p0 $0xFFFFF086;
	s6 =	sadd.s32 @!p0 s3, s7;
	s7 =	simm.s32 @!p0 $0x108  }
0x21: {  	s3 =	sadd.s32 s3, s9;
	s6 =	sadd.s32 @!p0 $0x88, s6;
	s7 =	simm.s32 @p2 $0x1082  }
0x22: {  	[simem:s7], [sflag:s8] =	dma.local @!p0 [hbm:s6], $0xF7A  }
0x23: {  	s9 =	sor.u32 $0xD0000000, s2;
	s6 =	simm.s32 $0x108;
	_ =	swait.ge @!p0 [sflag:s8], $0x0  }
0x24: {  	s3 =	sadd.s32 $0x88, s3;
	s6 =	simm.s32 @!p1 $0x1082;
	[sflag:s4] =	ssyncset.s32 $0xFFFFF086  }
0x25: {  	[simem:s6], [sflag:s4] =	dma.local [hbm:s3], $0xF7A  }
0x26: {  	[smem:$0x3F9F] =	sst s1;
	(tag) =	ssettag s2;
	_ =	strace s9  }
0x27: {  	s1 =	sld [smem:$0x3FAF]  }
0x28: {  	s2 =	sld [smem:$0x3FB0]  }
0x29: {  	s4 =	sld [smem:$0x3FB2]  }
0x2a: {  	p0 =	seq.s32 s5, $0x0;
	s5 =	sld [smem:$0x3FB3]  }
0x2b: {  	s6 =	sld [smem:$0x3FB4]  }
0x2c: {  	s7 =	sld [smem:$0x3FB5]  }
0x2d: {  	s3 =	simm.s32 $0x108;
	s8 =	sld [smem:$0x3FB6]  }
0x2e: {  	s3 =	simm.s32 @!p0 $0x1082;
	s9 =	sld [smem:$0x3FB7]  }
0x2f: {  	lr =	sadd.s32 s0, s3;
	s0 =	sld [smem:$0x3FAE]  }
0x30: {  	s3 =	sld [smem:$0x3FB1]  }
0x31: {  	[smem:$0x3FBA] =	sst s10  }
0x32: {  	s10 =	sld [smem:$0x3FB8];
	_ =	sdelay $0x3  }
0x33: {  	p0 =	seq.s32 s10, $0x1;
	s10 =	sld [smem:$0x3FBA];
	_ =	sdelay $0x3  }
0x34: {  	[smem:$0x3FBA] =	sst s10  }
0x35: {  	s10 =	sld [smem:$0x3FB9];
	_ =	sdelay $0x3  }
0x36: {  	p1 =	seq.s32 s10, $0x1;
	s10 =	sld [smem:$0x3FBA];
	_ =	sdelay $0x3  }
0x37: {  	[smem:$0x3FBA] =	sst s10  }
0x38: {  	s10 =	sld [smem:$0x3FBB]  }
0x39: {  	_ = 	snop;
	(pc) =	sbr.ind lr, $3  }
0x3a: {  	_ = 	snop  }
0x3b: {  	_ = 	snop  }
0x3c: {  	p2 =	seq.s32 s10, $0x1;
	s10 =	sld [smem:$0x3FBA]  }
0x3d: {  	_ =	shalt  }
0x3e: {  	_ =	shalt  }
0x3f: {  	_ =	shalt  }
0x40: {  	_ =	shalt  }
0x41: {  	_ =	shalt  }
0x42: {  	_ =	shalt  }
0x43: {  	_ =	shalt  }
0x44: {  	_ =	shalt  }
0x45: {  	_ =	shalt  }
0x46: {  	_ =	shalt  }
0x47: {  	_ =	shalt  }
0x48: {  	_ =	shalt  }
0x49: {  	_ =	shalt  }
0x4a: {  	_ =	shalt  }
0x4b: {  	_ =	shalt  }
0x4c: {  	_ =	shalt  }
0x4d: {  	_ =	shalt  }
0x4e: {  	_ =	shalt  }
0x4f: {  	_ =	shalt  }
0x50: {  	_ =	shalt  }
0x51: {  	_ =	shalt  }
0x52: {  	_ =	shalt  }
0x53: {  	_ =	shalt  }
0x54: {  	_ =	shalt  }
0x55: {  	_ =	shalt  }
0x56: {  	_ =	shalt  }
0x57: {  	_ =	shalt  }
0x58: {  	_ =	shalt  }
0x59: {  	_ =	shalt  }
0x5a: {  	_ =	shalt  }
0x5b: {  	_ =	shalt  }
0x5c: {  	_ =	shalt  }
0x5d: {  	_ =	shalt  }
0x5e: {  	_ =	shalt  }
0x5f: {  	_ =	shalt  }
0x60: {  	_ =	shalt  }
0x61: {  	_ =	shalt  }
0x62: {  	_ =	shalt  }
0x63: {  	_ =	shalt  }
0x64: {  	_ =	shalt  }
0x65: {  	_ =	shalt  }
0x66: {  	_ =	shalt  }
0x67: {  	_ =	shalt  }
0x68: {  	_ =	shalt  }
0x69: {  	_ =	shalt  }
0x6a: {  	_ =	shalt  }
0x6b: {  	_ =	shalt  }
0x6c: {  	_ =	shalt  }
0x6d: {  	_ =	shalt  }
0x6e: {  	_ =	shalt  }
0x6f: {  	_ =	shalt  }
0x70: {  	_ =	shalt  }
0x71: {  	_ =	shalt  }
0x72: {  	_ =	shalt  }
0x73: {  	_ =	shalt  }
0x74: {  	_ =	shalt  }
0x75: {  	_ =	shalt  }
0x76: {  	_ =	shalt  }
0x77: {  	_ =	shalt  }
0x78: {  	_ =	shalt  }
0x79: {  	_ =	shalt  }
0x7a: {  	_ =	shalt  }
0x7b: {  	_ =	shalt  }
0x7c: {  	_ =	shalt  }
0x7d: {  	_ =	shalt  }
0x7e: {  	_ =	shalt  }
0x7f: {  	_ =	shalt  }
0x80: {  	_ =	shalt  }
0x81: {  	_ =	shalt  }
0x82: {  	_ =	shalt  }
0x83: {  	_ =	shalt  }
0x84: {  	_ =	shalt  }
0x85: {  	_ =	shalt  }
0x86: {  	_ =	shalt  }
0x87: {  	_ =	shalt  }
.Lfunc_end0:
.L_simem_size_0:
called_computation_lowered:
.L_overlay_start_0:
0x88: {  	s2 =	sld [smem:$0x3FD9]  }
0x89: {  	s3 =	sld [smem:$0x3FFE];
	_ =	sdelay $0x1  }
0x8a: {  	s1 =	srdreg.scid  }
0x8b: {  	s0 =	sand.u32 $0x1, s1  }
0x8c: {  	s17 =	sshll.u32 s0, $0xA;
	s2 =	sadd.s32 s3, s2  }
0x8d: {  	s2 =	sadd.s32 s2, s17  }
0x8e: {  	[smem:$0x3FC6] =	sst s2  }
0x8f: {  	_ = 	snop  }
0x90: {  	s2 =	sld [smem:$0x3FD0];
	(tm) =	ssettm $0x1  }
0x91: {  	s18 =	sld [smem:$0x3FFB];
	_ =	sdelay $0x3  }
0x92: {  	_ =	strace s18  }
0x93: {  	s3 =	sld [smem:$0x3FFC];
	_ =	sdelay $0x3  }
0x94: {  	_ =	strace s3  }
0x95: {  	s3 =	sld [smem:$0x3FFD];
	_ =	sdelay $0x3  }
0x96: {  	_ =	strace s3  }
0x97: {  	_ =	strace $0x8FFFFFFF  }
0x98: {  	s19 =	sld [smem:$0x3FDB];
	_ =	sdelay $0x1  }
0x99: {  	s4 =	simm.s32 $_scs_section_size  }
0x9a: {  	s5 =	simm.s32 $_size__tile_overlayer_lowered;
	s6 =	simm.s32 $_tile_overlayer_lowered  }
0x9b: {  	s22 =	simm.s32 $0x1BFF;
	s21 =	sshll.u32 s6, $0x1;
	s3 =	sadd.s32 s4, s19  }
0x9c: {  	s7 =	simm.s32 $0x0;
	s20 =	sshll.u32 s5, $0x1;
	s5 =	sadd.s32 s21, s3  }
0x9d: {  	[timem:s7], [sflag:s22] =	dma.local [hbm:s5], s20  }
0x9e: {  	_ =	swait.ge [sflag:s22], s20  }
0x9f: {  	s4 =	ssub.s32 $0x0, s20;
	[sflag:s22] =	ssyncset.done $0x0  }
0xa0: {  	[sflag:s22] =	ssyncadd.s32 s4;
	_ =	sdelay $0x1  }
0xa1: {  	s23 =	simm.s32 $0x1B8B  }
0xa2: {  	_ =	swait.ge [sflag:s23], $0x1  }
0xa3: {  	[sflag:s23] =	ssyncset.done $0x0  }
0xa4: {  	s25 =	simm.s32 $0x1B8E;
	s24 =	sld [smem:$0x3FFE];
	[sflag:s23] =	ssyncadd.s32 $0xFFFFFFFF  }
0xa5: {  	s26 =	simm.s32 $execute0_lowered;
	[smem:$0x3FD2] =	sst s25  }
0xa6: {  	s5 =	sshll.u32 s26, $0x1;
	_ =	strace $0x80000046;
	[dreg:$0x1] =	wrdreg $0xFFFFFFFF  }
0xa7: {  	s28 =	simm.s32 $_size_execute0_lowered;
	s3 =	sadd.s32 s3, s5;
	[dreg:$0x0] =	wrdreg $0x0  }
0xa8: {  	s5 =	sshll.u32 s28, $0x1;
	[dreg:$0x2] =	wrdreg s3  }
0xa9: {  	[dreg:$0x3] =	wrdreg s5  }
0xaa: {  	[dreg:$0x4] =	wrdreg $0xC0  }
0xab: {  	_ =	task [dreg:s7], $0x5FFFF  }
0xac: {  	[dreg:$0x1] =	wrdreg $0xFFFFFFFF  }
0xad: {  	[dreg:$0x0] =	wrdreg $0x60  }
0xae: {  	[dreg:$0x2] =	wrdreg s24  }
0xaf: {  	[dreg:$0x3] =	wrdreg s2  }
0xb0: {  	[dreg:$0x4] =	wrdreg $0x0  }
0xb1: {  	[dreg:$0x5] =	wrdreg $0x9  }
0xb2: {  	_ =	task.clear_ibuf [dreg:s7], $0x6FFFF;
	_ =	strace $0x90000046  }
0xb3: {  	s29 =	simm.s32 $0x9;
	_ =	strace $0x80000048  }
0xb4: {  	_ =	swait.ge [sflag:s29], $0x1  }
0xb5: {  	[sflag:s29] =	ssyncadd.s32 $0xFFFFFFFF  }
0xb6: {  	_ =	strace $0x90000048  }
0xb7: {  	_ =	sfence  }
0xb8: {  	s30 =	sld [smem:$0x0];
	_ =	sdelay $0x2  }
0xb9: {  	s31 =	sshll.u32 s1, $0xD;
	s1 =	sshrl.u32 s1, $0x2  }
0xba: {  	s3 =	sand.u32 $0x4000, s31;
	s1 =	sadd.s32 s1, s30  }
0xbb: {  	s0 =	sor.u32 s3, s0;
	s1 =	sshll.u32 s1, $0x11  }
0xbc: {  	s0 =	sor.u32 s1, s0  }
0xbd: {  	s0 =	sadd.s32 $0x8F2B, s0  }
0xbe: {  	[sflag:s0] =	ssyncadd.remote.s32 $0x1  }
0xbf: {  	_ =	sfence.sel $0xFFFF  }
0xc0: {  	[dreg:$0x0] =	wrdreg $0xFFFFFFFF;
	(pc) =	sbr.abs _section_cstart, $3  }
0xc1: {  	[dreg:$0x1] =	wrdreg $0xFFFFFFFF  }
0xc2: {  	_ =	task.clear_ibuf [dreg:s7], $0x2FFFF;
	_ =	strace $0x9FFFFFFF  }
0xc3: {  	(tm) =	ssettm $0x7FFFFFFF  }
tec
execute0_lowered:
.L_overlay_start_1:
0x0: {  	(tag) =	ssettag $0x1  }
0x1: {  	s14 =	rddreg [dreg:$0x0]  }
0x2: {  	s16 =	rddreg [dreg:$0x1]  }
0x3: {  	s4 =	rddreg [dreg:$0x2]  }
0x4: {  	s29 =	simm.s32 $0x0;
	s15 =	stileid.u32;
	s1 =	srdreg.scid  }
0x5: {  	[smem:$0x7FF] =	sst s29;
	s0 =	smul.u32 $0x4F000, s15;
	s1 =	sand.u32 $0x1, s1  }
0x6: {  	s2 =	sshll.u32 s15, $0x1;
	s7 =	sadd.s32 $0x12BC00, s4;
	s8 =	sadd.s32 $0x12F400, s4  }
0x7: {  	s3 =	sadd.s32 $0x31400, s14;
	s10 =	sadd.s32 $0x136400, s4;
	s11 =	smul.u32 $0x13C00, s15  }
0x8: {  	s5 =	smul.u32 $0x5080, s15;
	p0 =	seq.s32 s15, $0xF;
	s30 =	sadd.s32 $0xA200, s14  }
0x9: {  	_ =	strace $0x80000047;
	s2 =	sor.u32 s1, s2;
	s9 =	smul.u32 $0x138800, s1  }
0xa: {  	s24 =	ssub.s32 $0x2, s1;
	s1 =	smul.u32 $0x2840, s1;
	s0 =	sshrl.u32 s0, $0x2  }
0xb: {  	s2 =	smul.u32 $0x2840, s2;
	s6 =	sshrl.u32 s24, $0x1;
	s31 =	sadd.s32 s0, s4  }
0xc: {  	s0 =	ssub.s32 s24, s6;
	s6 =	sadd.s32 $0x132C00, s4;
	s11 =	sadd.s32 s11, s9  }
0xd: {  	s9 =	sshrl.u32 s9, $0x3;
	s1 =	sadd.s32 s1, s5;
	s5 =	simm.s32 $0x1AB80  }
0xe: {  	s17 =	sadd.s32 $0x7000, s31;
	s18 =	sadd.s32 $0xA800, s31;
	s19 =	sadd.s32 $0xE000, s31  }
0xf: {  	s20 =	sadd.s32 $0x11800, s31;
	s2 =	sshrl.u32 s2, $0x3;
	s11 =	sshrl.u32 s11, $0x3  }
0x10: {  	s24 =	sadd.s32 $0x310, s1;
	s0 =	smax.u32 s0, $0x1;
	[dreg:$0x4] =	wrdreg s31  }
0x11: {  	s12 =	sadd.s32 s16, s2;
	s25 =	sadd.s32 s14, s2;
	s26 =	sadd.s32 $0xE, s2  }
0x12: {  	s11 =	sadd.s32 s3, s11;
	s3 =	sadd.s32 s3, s9;
	[dreg:$0x15] =	wrdreg s0  }
0x13: {  	s17 =	smov.u32 @p0 s7;
	s18 =	smov.u32 @p0 s8;
	[dreg:$0x9] =	wrdreg s12  }
0x14: {  	s19 =	smov.u32 @p0 s6;
	s20 =	smov.u32 @p0 s10;
	[dreg:$0xa] =	wrdreg s25  }
0x15: {  	s24 =	sshrl.u32 s24, $0x3;
	s6 =	simm.s32 $0x13880;
	[dreg:$0xd] =	wrdreg s11  }
0x16: {  	s8 =	simm.s32 $0x17380;
	s10 =	simm.s32 $0x13B00;
	[dreg:$0x5] =	wrdreg s17  }
0x17: {  	s13 =	sadd.s32 s16, s26;
	s12 =	sadd.s32 s14, s26;
	[dreg:$0x6] =	wrdreg s18  }
0x18: {  	s17 =	sadd.s32 $0x2A, s2;
	[dreg:$0x7] =	wrdreg s19;
	s23 =	sadd.s32 $0x25080, s3  }
0x19: {  	[dreg:$0x8] =	wrdreg s20;
	s25 =	sadd.s32 $0x2A0, s1;
	s26 =	sadd.s32 $0x230, s1  }
0x1a: {  	s1 =	sadd.s32 $0x3800, s31;
	s11 =	simm.s32 $0x13A00;
	s18 =	simm.s32 $0xA  }
0x1b: {  	s20 =	simm.s32 $0x2;
	s3 =	simm.s32 $0xC;
	[dreg:$0xb] =	wrdreg s13  }
0x1c: {  	s19 =	simm.s32 $0x0;
	[dreg:$0xc] =	wrdreg s12;
	s12 =	sadd.s32 $0x1C, s2  }
0x1d: {  	s21 =	sadd.s32 s16, s17;
	s7 =	sadd.s32 s14, s17;
	s2 =	sadd.s32 $0x38, s2  }
0x1e: {  	[dreg:$0x14] =	wrdreg s23;
	s25 =	sshrl.u32 s25, $0x3;
	s28 =	sshrl.u32 s26, $0x3  }
0x1f: {  	s13 =	simm.s32 $0x4;
	s17 =	simm.s32 $0x6;
	s23 =	simm.s32 $0x3  }
0x20: {  	s26 =	simm.s32 $0x9;
	s15 =	sadd.s32 s16, s12;
	[dreg:$0x10] =	wrdreg s21  }
0x21: {  	s9 =	sadd.s32 s14, s12;
	[dreg:$0x11] =	wrdreg s7;
	s22 =	sadd.s32 s16, s2  }
0x22: {  	s2 =	sadd.s32 s14, s2;
	s12 =	simm.s32 $0x13A80;
	[dreg:$0xe] =	wrdreg s15  }
0x23: {  	s7 =	simm.s32 $0x5;
	s14 =	simm.s32 $0x1;
	[dreg:$0xf] =	wrdreg s9  }
0x24: {  	s16 =	simm.s32 $0x7;
	s21 =	simm.s32 $0x8;
	[dreg:$0x12] =	wrdreg s22  }
0x25: {  	[dreg:$0x13] =	wrdreg s2;
	s2 =	sadd.s32 $0x128400, s4;
	s15 =	simm.s32 $0x70  }
0x26: {  	s9 =	simm.s32 $0x13980;
	[dreg:$0x17] =	wrdreg s2;
	s1 =	smov.u32 @p0 s2  }
0x27: {  	v0 =	vimm.f32 $0.0e+00;
	s22 =	simm.s32 $0xB;
	s2 =	simm.s32 $0x0;
	[dreg:$0x16] =	wrdreg s1  }
.LBB2_1:
0x28: {  	[dreg:$0x18] =	wrdreg s2;
	s0 =	simm.s32 $0x0;
	s1 =	simm.s32 $0x200  }
.LBB2_2:
0x29: {  	p1 =	sne.s32 s1, $0xDE00;
	[tilespmem:s0+$0x13BF0] =	vst v0  }
0x2a: {  	[tilespmem:s0+$0x13B80] =	vst v0  }
0x2b: {  	[tilespmem:s0+$0x13B90] =	vst v0  }
.Ltmp0:
0x2c: {  	[tilespmem:s0+$0x13BA0] =	vst v0;
	(pc) =	sbr.rel @p1 .LBB2_2-.Ltmp0, $4  }
0x2d: {  	[tilespmem:s0+$0x13BB0] =	vst v0  }
0x2e: {  	[tilespmem:s0+$0x13BC0] =	vst v0  }
0x2f: {  	[tilespmem:s0+$0x13BD0] =	vst v0  }
0x30: {  	[tilespmem:s0+$0x13BE0] =	vst v0;
	s0 =	sshra.s32 s1, $0x2;
	s1 =	sadd.s32 $0x200, s1  }
0x31: {  	[tilespmem:s0+$0x13BF0] =	vst v0  }
0x32: {  	[tilespmem:s0+$0x13B80] =	vst v0  }
0x33: {  	[tilespmem:s0+$0x13B90] =	vst v0  }
0x34: {  	[tilespmem:s0+$0x13BA0] =	vst v0  }
0x35: {  	[tilespmem:s0+$0x13BB0] =	vst v0  }
0x36: {  	[tilespmem:s0+$0x13BC0] =	vst v0  }
0x37: {  	[tilespmem:s0+$0x13BD0] =	vst v0  }
0x38: {  	[tilespmem:s0+$0x13BE0] =	vst v0;
	s0 =	simm.s32 @!p0 $0x13B80  }
0x39: {  	[spmem:s31] =	stream.linear.scatter @!p0 [tilespmem:s0], [sflag:$0xD], $0x3800, $0x38;
	[tilespmem:$0x1E380] =	vst v63  }
0x3a: {  	s0 =	simm.s32 @!p0 $0xD  }
0x3b: {  	_ =	swait.ge @!p0 [sflag:s0], $0x3800  }
0x3c: {  	[sflag:s0] =	ssyncset.done @!p0 $0x0  }
0x3d: {  	s2 =	simm.s32 $0x13B80;
	s1 =	rddreg [dreg:$0x16];
	[sflag:s0] =	ssyncadd.s32 @!p0 $0xFFFFC800  }
0x3e: {  	[spmem:s1] =	stream.linear.scatter [tilespmem:s2], [sflag:$0xD], $0x3800, $0x38;
	[tilespmem:$0x1E380] =	vst v63  }
0x3f: {  	s1 =	simm.s32 $0xD  }
0x40: {  	_ =	swait.ge [sflag:s1], $0x3800  }
0x41: {  	[sflag:s1] =	ssyncset.done $0x0  }
0x42: {  	s31 =	rddreg [dreg:$0x5];
	[sflag:s1] =	ssyncadd.s32 $0xFFFFC800  }
0x43: {  	[spmem:s31] =	stream.linear.scatter [tilespmem:s2], [sflag:$0xD], $0x3800, $0x38;
	[tilespmem:$0x1E380] =	vst v63  }
0x44: {  	_ =	swait.ge [sflag:s1], $0x3800  }
0x45: {  	[sflag:s1] =	ssyncset.done $0x0  }
0x46: {  	s31 =	rddreg [dreg:$0x6];
	[sflag:s1] =	ssyncadd.s32 $0xFFFFC800  }
0x47: {  	[spmem:s31] =	stream.linear.scatter [tilespmem:s2], [sflag:$0xD], $0x3800, $0x38;
	[tilespmem:$0x1E380] =	vst v63  }
0x48: {  	_ =	swait.ge [sflag:s1], $0x3800  }
0x49: {  	[sflag:s1] =	ssyncset.done $0x0  }
0x4a: {  	s31 =	rddreg [dreg:$0x7];
	[sflag:s1] =	ssyncadd.s32 $0xFFFFC800  }
0x4b: {  	[spmem:s31] =	stream.linear.scatter [tilespmem:s2], [sflag:$0xD], $0x3800, $0x38;
	[tilespmem:$0x1E380] =	vst v63  }
0x4c: {  	_ =	swait.ge [sflag:s1], $0x3800  }
0x4d: {  	[sflag:s1] =	ssyncset.done $0x0  }
0x4e: {  	s31 =	rddreg [dreg:$0x8];
	[sflag:s1] =	ssyncadd.s32 $0xFFFFC800  }
0x4f: {  	[spmem:s31] =	stream.linear.scatter [tilespmem:s2], [sflag:$0xD], $0x2400, $0x38;
	[tilespmem:$0x1E380] =	vst v63  }
0x50: {  	_ =	swait.ge [sflag:s1], $0x2400  }
0x51: {  	[sflag:s1] =	ssyncset.done $0x0  }
0x52: {  	[sflag:s1] =	ssyncadd.s32 $0xFFFFDC00  }
0x53: {  	[bflag:$0x0] =	sbarrier.arrive $0xFFFF  }
0x54: {  	s1 =	rddreg [dreg:$0x9]  }
0x55: {  	[tilespmem:s6], [sflag:$0x4] =	stream.linear.gather [hbm4b:s1+s29], $0x70, $0x38;
	[tilespmem:$0x1E380] =	vst v63  }
0x56: {  	s31 =	rddreg [dreg:$0xa]  }
0x57: {  	[tilespmem:s11], [sflag:$0x7] =	stream.linear.gather [hbm4b:s31+s29], $0x70, $0x38;
	[tilespmem:$0x1E380] =	vst v63  }
0x58: {  	s1 =	rddreg [dreg:$0xb];
	s29 =	simm.s32 $0x13900  }
0x59: {  	[tilespmem:s29], [sflag:$0x5] =	stream.linear.gather [hbm4b:s1+s19], $0x70, $0x38;
	[tilespmem:$0x1E380] =	vst v63  }
0x5a: {  	s31 =	rddreg [dreg:$0xc]  }
0x5b: {  	[tilespmem:s12], [sflag:$0x8] =	stream.linear.gather [hbm4b:s31+s19], $0x70, $0x38;
	[tilespmem:$0x1E380] =	vst v63  }
0x5c: {  	_ =	swait.ge [sflag:s13], $0x70  }
0x5d: {  	[sflag:s13] =	ssyncset.done $0x0  }
0x5e: {  	[sflag:s13] =	ssyncadd.s32 $0xFFFFFF90  }
0x5f: {  	[tilespmem:s2], [sflag:$0x1] =	stream.indirect.gather [hbm4b:s30+s15], $0x80, s6, s15, $0xb8;
	[tilespmem:$0x1E380] =	vst v63  }
0x60: {  	_ =	swait.ge [sflag:s7], $0x70  }
0x61: {  	[sflag:s7] =	ssyncset.done $0x0  }
0x62: {  	[sflag:s7] =	ssyncadd.s32 $0xFFFFFF90  }
0x63: {  	[tilespmem:s8], [sflag:$0x2] =	stream.indirect.gather [hbm4b:s30+s15], $0x80, s29, s15, $0xb8;
	[tilespmem:$0x1E380] =	vst v63  }
0x64: {  	s1 =	rddreg [dreg:$0xe]  }
0x65: {  	[tilespmem:s9], [sflag:$0x6] =	stream.linear.gather [hbm4b:s1+s19], $0x70, $0x38;
	[tilespmem:$0x1E380] =	vst v63  }
0x66: {  	s31 =	rddreg [dreg:$0xf]  }
0x67: {  	[tilespmem:s10], [sflag:$0x9] =	stream.linear.gather [hbm4b:s31+s19], $0x70, $0x38;
	[tilespmem:$0x1E380] =	vst v63  }
0x68: {  	_ =	swait.ge [sflag:s14], $0x3800  }
0x69: {  	[sflag:s14] =	ssyncset.done $0x0  }
0x6a: {  	[sflag:s14] =	ssyncadd.s32 $0xFFFFC800  }
0x6b: {  	_ =	swait.ge [sflag:s16], $0x70  }
0x6c: {  	[sflag:s16] =	ssyncset.done $0x0  }
0x6d: {  	[sflag:s16] =	ssyncadd.s32 $0xFFFFFF90  }
0x6e: {  	[spmem:s4] =	stream.indirect.scatter.add.f32 [tilespmem:s2], [sflag:$0xA], $0x80, s11, s15, $0xb8;
	[tilespmem:$0x1E380] =	vst v63  }
0x6f: {  	_ =	swait.ge [sflag:s17], $0x70  }
0x70: {  	[sflag:s17] =	ssyncset.done $0x0  }
0x71: {  	[sflag:s17] =	ssyncadd.s32 $0xFFFFFF90  }
0x72: {  	[tilespmem:s5], [sflag:$0x3] =	stream.indirect.gather [hbm4b:s30+s15], $0x80, s9, s15, $0xb8;
	[tilespmem:$0x1E380] =	vst v63  }
0x73: {  	_ =	swait.ge [sflag:s18], $0x3800  }
0x74: {  	[sflag:s18] =	ssyncset.done $0x0  }
0x75: {  	s1 =	rddreg [dreg:$0x10];
	[sflag:s18] =	ssyncadd.s32 $0xFFFFC800  }
0x76: {  	[tilespmem:s6], [sflag:$0x4] =	stream.linear.gather [hbm4b:s1+s19], $0x70, $0x38;
	[tilespmem:$0x1E380] =	vst v63  }
0x77: {  	s31 =	rddreg [dreg:$0x11]  }
0x78: {  	[tilespmem:s11], [sflag:$0x7] =	stream.linear.gather [hbm4b:s31+s19], $0x70, $0x38;
	[tilespmem:$0x1E380] =	vst v63  }
0x79: {  	_ =	swait.ge [sflag:s20], $0x3800  }
0x7a: {  	[sflag:s20] =	ssyncset.done $0x0  }
0x7b: {  	[sflag:s20] =	ssyncadd.s32 $0xFFFFC800  }
0x7c: {  	_ =	swait.ge [sflag:s21], $0x70  }
0x7d: {  	[sflag:s21] =	ssyncset.done $0x0  }
0x7e: {  	[sflag:s21] =	ssyncadd.s32 $0xFFFFFF90  }
0x7f: {  	[spmem:s4] =	stream.indirect.scatter.add.f32 [tilespmem:s8], [sflag:$0xB], $0x80, s12, s15, $0xb8;
	[tilespmem:$0x1E380] =	vst v63  }
0x80: {  	_ =	swait.ge [sflag:s13], $0x70  }
0x81: {  	[sflag:s13] =	ssyncset.done $0x0  }
0x82: {  	[sflag:s13] =	ssyncadd.s32 $0xFFFFFF90  }
0x83: {  	[tilespmem:s2], [sflag:$0x1] =	stream.indirect.gather [hbm4b:s30+s15], $0x80, s6, s15, $0xb8;
	[tilespmem:$0x1E380] =	vst v63  }
0x84: {  	_ =	swait.ge [sflag:s22], $0x3800  }
0x85: {  	[sflag:s22] =	ssyncset.done $0x0  }
0x86: {  	s1 =	rddreg [dreg:$0x12];
	[sflag:s22] =	ssyncadd.s32 $0xFFFFC800  }
0x87: {  	[tilespmem:s29], [sflag:$0x5] =	stream.linear.gather [hbm4b:s1+s19], $0x70, $0x38;
	[tilespmem:$0x1E380] =	vst v63  }
0x88: {  	s31 =	rddreg [dreg:$0x13]  }
0x89: {  	[tilespmem:s12], [sflag:$0x8] =	stream.linear.gather [hbm4b:s31+s19], $0x70, $0x38;
	[tilespmem:$0x1E380] =	vst v63  }
0x8a: {  	_ =	swait.ge [sflag:s23], $0x3800  }
0x8b: {  	[sflag:s23] =	ssyncset.done $0x0  }
0x8c: {  	[sflag:s23] =	ssyncadd.s32 $0xFFFFC800  }
0x8d: {  	_ =	swait.ge [sflag:s26], $0x70  }
0x8e: {  	[sflag:s26] =	ssyncset.done $0x0  }
0x8f: {  	[sflag:s26] =	ssyncadd.s32 $0xFFFFFF90  }
0x90: {  	[spmem:s4] =	stream.indirect.scatter.add.f32 [tilespmem:s5], [sflag:$0xC], $0x80, s10, s15, $0xb8;
	[tilespmem:$0x1E380] =	vst v63  }
0x91: {  	_ =	swait.ge [sflag:s7], $0x70  }
0x92: {  	[sflag:s7] =	ssyncset.done $0x0  }
0x93: {  	[sflag:s7] =	ssyncadd.s32 $0xFFFFFF90  }
0x94: {  	[tilespmem:s8], [sflag:$0x2] =	stream.indirect.gather [hbm4b:s30+s15], $0x80, s29, s15, $0xb8;
	[tilespmem:$0x1E380] =	vst v63  }
0x95: {  	_ =	swait.ge [sflag:s3], $0x3800  }
0x96: {  	[sflag:s3] =	ssyncset.done $0x0  }
0x97: {  	[sflag:s3] =	ssyncadd.s32 $0xFFFFC800  }
0x98: {  	s31 =	rddreg [dreg:$0x1]  }
0x99: {  	s1 =	sadd.s32 s31, s28  }
0x9a: {  	[tilespmem:s9], [sflag:$0x6] =	stream.linear.gather [hbm4b:s1+s19], $0x70, $0x38;
	[tilespmem:$0x1E380] =	vst v63  }
0x9b: {  	s1 =	rddreg [dreg:$0x0]  }
0x9c: {  	s3 =	sadd.s32 s1, s28  }
0x9d: {  	[tilespmem:s10], [sflag:$0x9] =	stream.linear.gather [hbm4b:s3+s19], $0x70, $0x38;
	[tilespmem:$0x1E380] =	vst v63  }
0x9e: {  	_ =	swait.ge [sflag:s14], $0x3800  }
0x9f: {  	[sflag:s14] =	ssyncset.done $0x0  }
0xa0: {  	[sflag:s14] =	ssyncadd.s32 $0xFFFFC800  }
0xa1: {  	_ =	swait.ge [sflag:s16], $0x70  }
0xa2: {  	[sflag:s16] =	ssyncset.done $0x0  }
0xa3: {  	[sflag:s16] =	ssyncadd.s32 $0xFFFFFF90  }
0xa4: {  	[spmem:s4] =	stream.indirect.scatter.add.f32 [tilespmem:s2], [sflag:$0xA], $0x80, s11, s15, $0xb8;
	[tilespmem:$0x1E380] =	vst v63  }
0xa5: {  	_ =	swait.ge [sflag:s17], $0x70  }
0xa6: {  	[sflag:s17] =	ssyncset.done $0x0  }
0xa7: {  	[sflag:s17] =	ssyncadd.s32 $0xFFFFFF90  }
0xa8: {  	[tilespmem:s5], [sflag:$0x3] =	stream.indirect.gather [hbm4b:s30+s15], $0x80, s9, s15, $0xb8;
	[tilespmem:$0x1E380] =	vst v63  }
0xa9: {  	_ =	swait.ge [sflag:s18], $0x3800  }
0xaa: {  	[sflag:s18] =	ssyncset.done $0x0  }
0xab: {  	s17 =	sadd.s32 s31, s25;
	[sflag:s18] =	ssyncadd.s32 $0xFFFFC800  }
0xac: {  	[tilespmem:s6], [sflag:$0x4] =	stream.linear.gather [hbm4b:s17+s19], $0x70, $0x38;
	[tilespmem:$0x1E380] =	vst v63  }
0xad: {  	s18 =	sadd.s32 s1, s25  }
0xae: {  	[tilespmem:s11], [sflag:$0x7] =	stream.linear.gather [hbm4b:s18+s19], $0x70, $0x38;
	[tilespmem:$0x1E380] =	vst v63  }
0xaf: {  	_ =	swait.ge [sflag:s20], $0x3800  }
0xb0: {  	[sflag:s20] =	ssyncset.done $0x0  }
0xb1: {  	[sflag:s20] =	ssyncadd.s32 $0xFFFFC800  }
0xb2: {  	_ =	swait.ge [sflag:s21], $0x70  }
0xb3: {  	[sflag:s21] =	ssyncset.done $0x0  }
0xb4: {  	[sflag:s21] =	ssyncadd.s32 $0xFFFFFF90  }
0xb5: {  	[spmem:s4] =	stream.indirect.scatter.add.f32 [tilespmem:s8], [sflag:$0xB], $0x80, s12, s15, $0xb8;
	[tilespmem:$0x1E380] =	vst v63  }
0xb6: {  	_ =	swait.ge [sflag:s13], $0x70  }
0xb7: {  	[sflag:s13] =	ssyncset.done $0x0  }
0xb8: {  	[sflag:s13] =	ssyncadd.s32 $0xFFFFFF90  }
0xb9: {  	[tilespmem:s2], [sflag:$0x1] =	stream.indirect.gather [hbm4b:s30+s15], $0x80, s6, s15, $0xb8;
	[tilespmem:$0x1E380] =	vst v63  }
0xba: {  	_ =	swait.ge [sflag:s22], $0x3800  }
0xbb: {  	[sflag:s22] =	ssyncset.done $0x0  }
0xbc: {  	s21 =	sadd.s32 s31, s24;
	[sflag:s22] =	ssyncadd.s32 $0xFFFFC800  }
0xbd: {  	[tilespmem:s29], [sflag:$0x5] =	stream.linear.gather [hbm4b:s21+s19], $0x70, $0x38;
	[tilespmem:$0x1E380] =	vst v63  }
0xbe: {  	s22 =	sadd.s32 s1, s24  }
0xbf: {  	[tilespmem:s12], [sflag:$0x8] =	stream.linear.gather [hbm4b:s22+s19], $0x70, $0x38;
	[tilespmem:$0x1E380] =	vst v63  }
0xc0: {  	_ =	swait.ge [sflag:s23], $0x3800  }
0xc1: {  	s0 =	sadd.s32 $0x2A, s31;
	s3 =	simm.s32 $0x9;
	[sflag:s23] =	ssyncset.done $0x0  }
0xc2: {  	s16 =	simm.s32 $0x5;
	s9 =	simm.s32 $0xB;
	[sflag:s23] =	ssyncadd.s32 $0xFFFFC800  }
0xc3: {  	s17 =	simm.s32 $0x1;
	s11 =	simm.s32 $0x13880;
	_ =	swait.ge [sflag:s26], $0x70  }
0xc4: {  	s18 =	simm.s32 $0x7;
	s20 =	simm.s32 $0x6;
	[sflag:s26] =	ssyncset.done $0x0  }
0xc5: {  	s6 =	simm.s32 $0x1C;
	s1 =	sadd.s32 $0x2A, s1;
	[sflag:s26] =	ssyncadd.s32 $0xFFFFFF90  }
0xc6: {  	[spmem:s4] =	stream.indirect.scatter.add.f32 [tilespmem:s5], [sflag:$0xC], $0x80, s10, s15, $0xb8;
	[tilespmem:$0x1E380] =	vst v63  }
0xc7: {  	s29 =	simm.s32 $0xC;
	s21 =	simm.s32 $0xA;
	_ =	swait.ge [sflag:s7], $0x70  }
0xc8: {  	s22 =	simm.s32 $0x2;
	s23 =	simm.s32 $0x8;
	[sflag:s7] =	ssyncset.done $0x0  }
0xc9: {  	s26 =	simm.s32 $0x3;
	[sflag:s7] =	ssyncadd.s32 $0xFFFFFF90;
	s7 =	simm.s32 $0x4  }
.LBB2_4:
0xca: {  	s8 =	simm.s32 $0x13900;
	s14 =	simm.s32 $0x17380  }
0xcb: {  	[tilespmem:s14], [sflag:$0x2] =	stream.indirect.gather [hbm4b:s30+s15], $0x80, s8, s15, $0xb8;
	[tilespmem:$0x1E380] =	vst v63  }
0xcc: {  	p1 =	sne.s32 s6, $0x1;
	s6 =	sadd.s32 $0xFFFFFFFF, s6;
	_ =	swait.ge [sflag:s29], $0x3800  }
0xcd: {  	[sflag:s29] =	ssyncset.done $0x0  }
0xce: {  	s31 =	sadd.s32 s0, s28;
	s5 =	simm.s32 $0x13980;
	[sflag:s29] =	ssyncadd.s32 $0xFFFFC800  }
0xcf: {  	[tilespmem:s5], [sflag:$0x6] =	stream.linear.gather [hbm4b:s31+s19], $0x70, $0x38;
	[tilespmem:$0x1E380] =	vst v63  }
0xd0: {  	s2 =	simm.s32 $0x13B00;
	s31 =	sadd.s32 s1, s28  }
0xd1: {  	[tilespmem:s2], [sflag:$0x9] =	stream.linear.gather [hbm4b:s31+s19], $0x70, $0x38;
	[tilespmem:$0x1E380] =	vst v63  }
0xd2: {  	_ =	swait.ge [sflag:s17], $0x3800  }
0xd3: {  	[sflag:s17] =	ssyncset.done $0x0  }
0xd4: {  	[sflag:s17] =	ssyncadd.s32 $0xFFFFC800  }
0xd5: {  	_ =	swait.ge [sflag:s18], $0x70  }
0xd6: {  	[sflag:s18] =	ssyncset.done $0x0  }
0xd7: {  	s13 =	simm.s32 $0x13B80;
	s12 =	simm.s32 $0x13A00;
	[sflag:s18] =	ssyncadd.s32 $0xFFFFFF90  }
0xd8: {  	[spmem:s4] =	stream.indirect.scatter.add.f32 [tilespmem:s13], [sflag:$0xA], $0x80, s12, s15, $0xb8;
	[tilespmem:$0x1E380] =	vst v63  }
0xd9: {  	_ =	swait.ge [sflag:s20], $0x70  }
0xda: {  	[sflag:s20] =	ssyncset.done $0x0  }
0xdb: {  	s10 =	simm.s32 $0x1AB80;
	[sflag:s20] =	ssyncadd.s32 $0xFFFFFF90  }
0xdc: {  	[tilespmem:s10], [sflag:$0x3] =	stream.indirect.gather [hbm4b:s30+s15], $0x80, s5, s15, $0xb8;
	[tilespmem:$0x1E380] =	vst v63  }
0xdd: {  	_ =	swait.ge [sflag:s21], $0x3800  }
0xde: {  	[sflag:s21] =	ssyncset.done $0x0  }
0xdf: {  	s31 =	sadd.s32 s0, s25;
	[sflag:s21] =	ssyncadd.s32 $0xFFFFC800  }
0xe0: {  	[tilespmem:s11], [sflag:$0x4] =	stream.linear.gather [hbm4b:s31+s19], $0x70, $0x38;
	[tilespmem:$0x1E380] =	vst v63  }
0xe1: {  	s5 =	simm.s32 $0x13A00;
	s31 =	sadd.s32 s1, s25  }
0xe2: {  	[tilespmem:s12], [sflag:$0x7] =	stream.linear.gather [hbm4b:s31+s19], $0x70, $0x38;
	[tilespmem:$0x1E380] =	vst v63  }
0xe3: {  	_ =	swait.ge [sflag:s22], $0x3800  }
0xe4: {  	[sflag:s22] =	ssyncset.done $0x0  }
0xe5: {  	[sflag:s22] =	ssyncadd.s32 $0xFFFFC800  }
0xe6: {  	_ =	swait.ge [sflag:s23], $0x70  }
0xe7: {  	[sflag:s23] =	ssyncset.done $0x0  }
0xe8: {  	s12 =	simm.s32 $0x13A80;
	[sflag:s23] =	ssyncadd.s32 $0xFFFFFF90  }
0xe9: {  	[spmem:s4] =	stream.indirect.scatter.add.f32 [tilespmem:s14], [sflag:$0xB], $0x80, s12, s15, $0xb8;
	[tilespmem:$0x1E380] =	vst v63  }
0xea: {  	_ =	swait.ge [sflag:s7], $0x70  }
0xeb: {  	[sflag:s7] =	ssyncset.done $0x0  }
0xec: {  	s14 =	simm.s32 $0x13B80;
	[sflag:s7] =	ssyncadd.s32 $0xFFFFFF90  }
0xed: {  	[tilespmem:s13], [sflag:$0x1] =	stream.indirect.gather [hbm4b:s30+s15], $0x80, s11, s15, $0xb8;
	[tilespmem:$0x1E380] =	vst v63  }
0xee: {  	_ =	swait.ge [sflag:s9], $0x3800  }
0xef: {  	[sflag:s9] =	ssyncset.done $0x0  }
0xf0: {  	s31 =	sadd.s32 s0, s24;
	s13 =	simm.s32 $0x13900;
	[sflag:s9] =	ssyncadd.s32 $0xFFFFC800  }
0xf1: {  	[tilespmem:s8], [sflag:$0x5] =	stream.linear.gather [hbm4b:s31+s19], $0x70, $0x38;
	[tilespmem:$0x1E380] =	vst v63  }
0xf2: {  	s31 =	sadd.s32 s1, s24;
	s8 =	simm.s32 $0x13A80  }
0xf3: {  	[tilespmem:s12], [sflag:$0x8] =	stream.linear.gather [hbm4b:s31+s19], $0x70, $0x38;
	[tilespmem:$0x1E380] =	vst v63  }
0xf4: {  	_ =	swait.ge [sflag:s26], $0x3800  }
0xf5: {  	[sflag:s26] =	ssyncset.done $0x0  }
0xf6: {  	[sflag:s26] =	ssyncadd.s32 $0xFFFFC800  }
0xf7: {  	_ =	swait.ge [sflag:s3], $0x70  }
0xf8: {  	[sflag:s3] =	ssyncset.done $0x0  }
.Ltmp1:
0xf9: {  	[sflag:s3] =	ssyncadd.s32 $0xFFFFFF90;
	(pc) =	sbr.rel @p1 .LBB2_4-.Ltmp1, $4  }
0xfa: {  	[spmem:s4] =	stream.indirect.scatter.add.f32 [tilespmem:s10], [sflag:$0xC], $0x80, s2, s15, $0xb8;
	[tilespmem:$0x1E380] =	vst v63  }
0xfb: {  	_ =	swait.ge [sflag:s16], $0x70  }
0xfc: {  	[sflag:s16] =	ssyncset.done $0x0  }
0xfd: {  	s0 =	sadd.s32 $0x2A, s0;
	s1 =	sadd.s32 $0x2A, s1;
	[sflag:s16] =	ssyncadd.s32 $0xFFFFFF90  }
0xfe: {  	s0 =	simm.s32 $0x17380  }
0xff: {  	[tilespmem:s0], [sflag:$0x2] =	stream.indirect.gather [hbm4b:s30+s15], $0x80, s13, s15, $0xb8;
	[tilespmem:$0x1E380] =	vst v63  }
0x100: {  	_ =	swait.ge [sflag:s29], $0x3800  }
0x101: {  	[sflag:s29] =	ssyncset.done $0x0  }
0x102: {  	[sflag:s29] =	ssyncadd.s32 $0xFFFFC800  }
0x103: {  	_ =	swait.ge [sflag:s17], $0x3800  }
0x104: {  	[sflag:s17] =	ssyncset.done $0x0  }
0x105: {  	[sflag:s17] =	ssyncadd.s32 $0xFFFFC800  }
0x106: {  	_ =	swait.ge [sflag:s18], $0x70  }
0x107: {  	[sflag:s18] =	ssyncset.done $0x0  }
0x108: {  	[sflag:s18] =	ssyncadd.s32 $0xFFFFFF90  }
0x109: {  	[spmem:s4] =	stream.indirect.scatter.add.f32 [tilespmem:s14], [sflag:$0xA], $0x80, s5, s15, $0xb8;
	[tilespmem:$0x1E380] =	vst v63  }
0x10a: {  	_ =	swait.ge [sflag:s21], $0x3800  }
0x10b: {  	[sflag:s21] =	ssyncset.done $0x0  }
0x10c: {  	[sflag:s21] =	ssyncadd.s32 $0xFFFFC800  }
0x10d: {  	_ =	swait.ge [sflag:s22], $0x3800  }
0x10e: {  	[sflag:s22] =	ssyncset.done $0x0  }
0x10f: {  	[sflag:s22] =	ssyncadd.s32 $0xFFFFC800  }
0x110: {  	_ =	swait.ge [sflag:s23], $0x70  }
0x111: {  	[sflag:s23] =	ssyncset.done $0x0  }
0x112: {  	[sflag:s23] =	ssyncadd.s32 $0xFFFFFF90  }
0x113: {  	[spmem:s4] =	stream.indirect.scatter.add.f32 [tilespmem:s0], [sflag:$0xB], $0x80, s8, s15, $0xb8;
	[tilespmem:$0x1E380] =	vst v63  }
0x114: {  	_ =	swait.ge [sflag:s9], $0x3800  }
0x115: {  	[sflag:s9] =	ssyncset.done $0x0  }
0x116: {  	[sflag:s9] =	ssyncadd.s32 $0xFFFFC800  }
0x117: {  	[bflag:$0x0] =	sbarrier.arrive $0xFFFF  }
0x118: {  	s0 =	rddreg [dreg:$0x17]  }
0x119: {  	s1 =	simm.s32 @p0 $0x1FCD;
	s6 =	rddreg [dreg:$0x14];
	s0 =	sshrl.u32 @p0 s0, $0x3  }
0x11a: {  	[hbm:s6], [sflag:s1] =	dma.local @p0 [spmem:s0], $0x2080  }
0x11b: {  	s0 =	simm.s32 @p0 $0xD  }
0x11c: {  	_ =	swait.ge @p0 [sflag:s0], $0x2080  }
0x11d: {  	s1 =	stileid.u32;
	s31 =	rddreg [dreg:$0x4]  }
0x11e: {  	s1 =	sshll.u32 @!p0 s1, $0x6;
	[sflag:s0] =	ssyncset.done @p0 $0x0;
	s6 =	rddreg [dreg:$0xd]  }
0x11f: {  	[sflag:s0] =	ssyncadd.s32 @p0 $0xFFFFDF80;
	s0 =	sor.u32 @!p0 $0x1C0D, s1;
	s1 =	sshrl.u32 @!p0 s31, $0x3  }
0x120: {  	[hbm:s6], [sflag:s0] =	dma.local @!p0 [spmem:s1], $0x2780  }
0x121: {  	s11 =	simm.s32 $0x13A00;
	s0 =	simm.s32 @!p0 $0xD  }
0x122: {  	s12 =	simm.s32 $0x13A80;
	s10 =	simm.s32 $0x13B00;
	_ =	swait.ge @!p0 [sflag:s0], $0x2780  }
0x123: {  	s7 =	simm.s32 $0x5;
	s16 =	simm.s32 $0x7;
	s2 =	rddreg [dreg:$0x18]  }
0x124: {  	s20 =	simm.s32 $0x2;
	s26 =	rddreg [dreg:$0x15];
	s2 =	sadd.s32 $0x1, s2  }
0x125: {  	s3 =	simm.s32 $0xC;
	s13 =	simm.s32 $0x4;
	p1 =	sne.s32 s2, s26  }
.Ltmp2:
0x126: {  	s29 =	simm.s32 $0x0;
	s17 =	simm.s32 $0x6;
	(pc) =	sbr.rel @p1 .LBB2_1-.Ltmp2, $4  }
0x127: {  	s18 =	simm.s32 $0xA;
	s5 =	simm.s32 $0x1AB80;
	s14 =	simm.s32 $0x1  }
0x128: {  	s21 =	simm.s32 $0x8;
	s22 =	simm.s32 $0xB;
	s23 =	simm.s32 $0x3  }
0x129: {  	s8 =	simm.s32 $0x17380;
	s9 =	simm.s32 $0x13980;
	[sflag:s0] =	ssyncset.done @!p0 $0x0  }
0x12a: {  	s6 =	simm.s32 $0x13880;
	[sflag:s0] =	ssyncadd.s32 @!p0 $0xFFFFD880;
	s26 =	simm.s32 $0x9  }
0x12b: {  	_ =	sfence.sel $0x180000  }
0x12c: {  	[bflag:$0x0] =	sbarrier.arrive $0xFFFF  }
0x12d: {  	_ =	strace $0x90000047  }
0x12e: {  	s0 =	stileid.u32;
	[bflag:$0x2] =	sbarrier.arrive $0xFFFF  }
0x12f: {  	p0 =	sne.s32 s0, $0x0;
	s0 =	rddreg [dreg:$0x3]  }
0x130: {  	s0 =	sadd.s32 @!p0 $0x100000, s0  }
0x131: {  	[sflag:s0] =	ssyncadd.tile.s32 @!p0 $0x1;
	_ =	shalt  }
.Lfunc_end2:
_tile_overlayer_lowered:
.L_overlay_start_2:
0x132: {  	(tag) =	ssettag $0x2  }
0x133: {  	s0 =	rddreg [dreg:$0x0];
	s2 =	stileid.u32  }
0x134: {  	s1 =	rddreg [dreg:$0x1];
	p0 =	sne.s32 s2, $0x0  }
0x135: {  	s3 =	rddreg [dreg:$0x2];
	[bflag:$0x3] =	sbarrier.arrive $0xFFFF;
	s2 =	simm.s32 @!p0 $0x1C0D  }
0x136: {  	[timem:s3], [sflag:s2] =	dma.local @!p0 [hbm:s0], s1  }
0x137: {  	s0 =	simm.s32 @!p0 $0xD  }
0x138: {  	_ =	swait.ge @!p0 [sflag:s0], s1  }
0x139: {  	s1 =	ssub.s32 @!p0 $0x0, s1;
	[sflag:s0] =	ssyncset.done @!p0 $0x0  }
0x13a: {  	[sflag:s0] =	ssyncadd.s32 @!p0 s1  }
0x13b: {  	[bflag:$0x3] =	sbarrier.arrive $0xFFFF  }
0x13c: {  	_ =	shalt  }

</sc_bundles>
